<compile_context>
chip_gen: v7x
topology: tpu7x:2x2x1
jax: 0.10.2.dev20260603
libtpu: 0.0.44.dev20260713+nightly
codegen_flags: <defaults>
</compile_context>

<pallas_src>
import jax
import jax.numpy as jnp
from jax import lax
from jax.experimental import pallas as pl
from jax.experimental.pallas import tpu as pltpu
from jax.experimental.pallas import tpu_sc as plsc

T = 128
K = 8
H = 4096
PERMUTED_ROWS = T * K
EPS = 1e-6
NC, NS = 2, 16
NW = NC * NS
L = 16
NCHUNK = H // L

S_TC = 96
T_SC = T - S_TC
TPW = T_SC // NW


def _rsqrt_vec(x):
    xi = lax.bitcast_convert_type(x, jnp.int32)
    yi = jnp.int32(0x5F3759DF) - (xi >> 1)
    y = lax.bitcast_convert_type(yi, jnp.float32)
    for _ in range(3):
        y = y * (1.5 - 0.5 * x * y * y)
    return y



def _tec_kernel(inp_hbm, idx_hbm, scale_hbm, res_hbm, sh_hbm, w_hbm,
                hid_out, resout_out,
                idx_v, scale_v, g_v, res_v, sh_v, w_v,
                outres_v, hid_v,
                gsem0, gsem1, ldsem, osem0, osem1, hsem0, hsem1):
    wid = lax.axis_index("s") * NC + lax.axis_index("c")
    base = wid * TPW
    src = S_TC + base

    gsem = (gsem0, gsem1)
    osem = (osem0, osem1)
    hsem = (hsem0, hsem1)

    scale_cp = pltpu.async_copy(scale_hbm.at[pl.ds(src * K, TPW * K)],
                                scale_v.at[pl.ds(0, TPW * K)], ldsem)
    pltpu.sync_copy(idx_hbm.at[pl.ds(src, TPW)], idx_v)

    gather = [None, None]
    gather[0] = pltpu.async_copy(inp_hbm.at[idx_v.at[0]], g_v.at[0], gsem[0])
    res_cp = pltpu.async_copy(res_hbm.at[pl.ds(src, TPW)], res_v, ldsem)
    sh_cp = pltpu.async_copy(sh_hbm.at[pl.ds(src, TPW)], sh_v, ldsem)
    w_cp = pltpu.async_copy(w_hbm, w_v, ldsem)

    out_pend = [None, None]

    for t in range(TPW):
        b = t % 2
        gather[b].wait()
        if t + 1 < TPW:
            nb = (t + 1) % 2
            gather[nb] = pltpu.async_copy(
                inp_hbm.at[idx_v.at[t + 1]], g_v.at[nb], gsem[nb])
        if t == 0:
            scale_cp.wait()
            res_cp.wait()
            sh_cp.wait()
            w_cp.wait()
        if out_pend[b] is not None:
            out_pend[b][0].wait()
            out_pend[b][1].wait()

        svec = scale_v[pl.ds((t // 2) * L, L)]
        s = [svec[(t % 2) * K + kk] for kk in range(K)]

        def one_chunk(bb, t=t, b=b, s=s):
            p = [g_v[b, kk, pl.ds(bb, L)] * s[kk] for kk in range(K)]
            q = [p[0] + p[1], p[2] + p[3], p[4] + p[5], p[6] + p[7]]
            r0 = (q[0] + q[1]) + (res_v[t, pl.ds(bb, L)]
                                  + sh_v[t, pl.ds(bb, L)])
            return r0 + (q[2] + q[3])

        @plsc.parallel_loop(0, NCHUNK, step=2,
                            carry=(jnp.zeros((L,), jnp.float32),
                                   jnp.zeros((L,), jnp.float32)))
        def ssq(c, carry, b=b):
            sa, sb = carry
            acc_a = one_chunk(c * L)
            acc_b = one_chunk((c + 1) * L)
            outres_v[b, 0, pl.ds(c * L, L)] = acc_a
            outres_v[b, 0, pl.ds((c + 1) * L, L)] = acc_b
            return (sa + acc_a * acc_a, sb + acc_b * acc_b)

        ssum = ssq[0] + ssq[1]
        outres_cp = pltpu.async_copy(
            outres_v.at[b], resout_out.at[pl.ds(base + t, 1)], osem[b])
        tot = ssum[0]
        for lane in range(1, L):
            tot = tot + ssum[lane]
        rs = _rsqrt_vec(jnp.full((L,), tot * (1.0 / H) + EPS, jnp.float32))

        @plsc.parallel_loop(0, NCHUNK, step=2)
        def _(c, b=b, rs=rs):
            for u in range(2):
                bb = (c + u) * L
                hid_v[b, 0, pl.ds(bb, L)] = (outres_v[b, 0, pl.ds(bb, L)]
                                             * rs * w_v[pl.ds(bb, L)])

        out_pend[b] = (
            outres_cp,
            pltpu.async_copy(hid_v.at[b],
                             hid_out.at[pl.ds(base + t, 1)], hsem[b]),
        )

    for b in range(2):
        if out_pend[b] is not None:
            out_pend[b][0].wait()
            out_pend[b][1].wait()


_sc_finalize = pl.kernel(
    _tec_kernel,
    out_type=(jax.ShapeDtypeStruct((T_SC, H), jnp.float32),
              jax.ShapeDtypeStruct((T_SC, H), jnp.float32)),
    mesh=plsc.VectorSubcoreMesh(core_axis_name="c", subcore_axis_name="s"),
    scratch_types=[
        pltpu.VMEM((TPW, K), jnp.int32),
        pltpu.VMEM((max(TPW * K, L),), jnp.float32),
        pltpu.VMEM((2, K, H), jnp.float32),
        pltpu.VMEM((TPW, H), jnp.float32),
        pltpu.VMEM((TPW, H), jnp.float32),
        pltpu.VMEM((H,), jnp.float32),
        pltpu.VMEM((2, 1, H), jnp.float32),
        pltpu.VMEM((2, 1, H), jnp.float32),
        pltpu.SemaphoreType.DMA,
        pltpu.SemaphoreType.DMA,
        pltpu.SemaphoreType.DMA,
        pltpu.SemaphoreType.DMA,
        pltpu.SemaphoreType.DMA,
        pltpu.SemaphoreType.DMA,
        pltpu.SemaphoreType.DMA,
    ],
)



PCHUNK = 256
NPC = PERMUTED_ROWS // PCHUNK


def _tc_body(idx_ref, scale_ref, tbl_lo_ref, tbl_hi_ref, res_ref, sh_ref,
             w_ref, hid_ref, outres_ref, acc_ref):
    j = pl.program_id(0)
    lo = j * PCHUNK

    pio = lo + lax.broadcasted_iota(jnp.int32, (S_TC, PCHUNK), 1)
    oh = jnp.zeros((S_TC, PCHUNK), jnp.float32)
    for kk in range(K):
        idx_col = idx_ref[:, kk:kk + 1]
        sc_col = scale_ref[:, kk:kk + 1]
        oh = oh + jnp.where(pio == idx_col, sc_col, 0.0)

    part = jnp.concatenate(
        [jnp.dot(oh, tbl_lo_ref[...], preferred_element_type=jnp.float32),
         jnp.dot(oh, tbl_hi_ref[...], preferred_element_type=jnp.float32)],
        axis=1)

    @pl.when(j == 0)
    def _():
        acc_ref[...] = part

    @pl.when(j > 0)
    def _():
        acc_ref[...] = acc_ref[...] + part

    @pl.when(j == NPC - 1)
    def _():
        outr = acc_ref[...] + res_ref[...] + sh_ref[...]
        outres_ref[...] = outr
        var = jnp.mean(outr * outr, axis=1, keepdims=True)
        hid_ref[...] = outr * lax.rsqrt(var + EPS) * w_ref[...]


_tc_finalize = pl.pallas_call(
    _tc_body,
    grid=(NPC,),
    in_specs=[
        pl.BlockSpec((S_TC, K), lambda j: (0, 0)),
        pl.BlockSpec((S_TC, K), lambda j: (0, 0)),
        pl.BlockSpec((PCHUNK, H // 2), lambda j: (j, 0)),
        pl.BlockSpec((PCHUNK, H // 2), lambda j: (j, 1)),
        pl.BlockSpec((S_TC, H), lambda j: (0, 0)),
        pl.BlockSpec((S_TC, H), lambda j: (0, 0)),
        pl.BlockSpec((1, H), lambda j: (0, 0)),
    ],
    out_specs=[
        pl.BlockSpec((S_TC, H), lambda j: (0, 0)),
        pl.BlockSpec((S_TC, H), lambda j: (0, 0)),
    ],
    out_shape=(jax.ShapeDtypeStruct((T, H), jnp.float32),
               jax.ShapeDtypeStruct((T, H), jnp.float32)),
    scratch_shapes=[pltpu.VMEM((S_TC, H), jnp.float32)],
)


def kernel(input, residual, norm_weight, expanded_idx_to_permuted_idx,
           shared_expert_output, expert_scale_factor):
    w2d = norm_weight.reshape(1, H)

    sc_hid, sc_outres = _sc_finalize(
        input, expanded_idx_to_permuted_idx,
        expert_scale_factor.reshape(T * K),
        residual, shared_expert_output, norm_weight)

    tc_hid, tc_outres = _tc_finalize(
        expanded_idx_to_permuted_idx, expert_scale_factor,
        input, input, residual, shared_expert_output, w2d)

    return (lax.dynamic_update_slice(tc_hid, sc_hid, (S_TC, 0)),
            lax.dynamic_update_slice(tc_outres, sc_outres, (S_TC, 0)))

# --- scband reference (transcript-rebuilt; emitter-appended) ---
"""Pipeline reference for scband-mo-eall-reduce-4492535792390 (READ-ONLY COPY).

The authoritative reference and input builder live on the scoring server;
editing this copy changes nothing except your own understanding.
"""

import jax, jax.numpy as jnp
import numpy as np

NUM_TOKENS = 128
TOP_K = 8
HIDDEN = 4096
PERMUTED = NUM_TOKENS * TOP_K
EPS = 1e-6


def setup_inputs(seed: int = 0) -> dict:
    key = jax.random.key(seed)
    ks = jax.random.split(key, 6)
    return {
        "input": jax.random.normal(ks[0], (PERMUTED, HIDDEN), dtype=jnp.float32),
        "residual": jax.random.normal(ks[1], (NUM_TOKENS, HIDDEN), dtype=jnp.float32),
        "norm_weight": jax.random.uniform(ks[2], (HIDDEN,), dtype=jnp.float32),
        "expanded_idx_to_permuted_idx": jax.random.randint(ks[3], (NUM_TOKENS, TOP_K), 0, PERMUTED).astype(jnp.int32),
        "shared_expert_output": jax.random.normal(ks[4], (NUM_TOKENS, HIDDEN), dtype=jnp.float32),
        "expert_scale_factor": jax.random.uniform(ks[5], (NUM_TOKENS, TOP_K), dtype=jnp.float32),
    }


def reference(input, residual, norm_weight, expanded_idx_to_permuted_idx, shared_expert_output, expert_scale_factor):
    # Regular-mode MoE finalize + allreduce (tp_size=1 -> allreduce is identity):
    # expert_reduction = local_reduction(input, expanded_idx_to_permuted_idx, expert_scale_factor)
    gathered = jnp.take(input, expanded_idx_to_permuted_idx, axis=0)  # [T, K, H]
    expert_reduction = jnp.sum(gathered * expert_scale_factor[..., None], axis=1)  # [T, H]
    output_add = expert_reduction + shared_expert_output
    output_residual = output_add + residual
    # RMSNorm
    var = jnp.mean(jnp.square(output_residual), axis=-1, keepdims=True)
    hidden_states = output_residual * jax.lax.rsqrt(var + EPS) * norm_weight
    return (hidden_states, output_residual)

if __name__ == "__main__":
    import jax
    _d = setup_inputs()
    print(jax.jit(kernel)(*tuple(_d.values())))

</pallas_src>

<mosaic_0001>
#map = affine_map<(d0, d1) -> (0, 0)>
#map1 = affine_map<(d0, d1) -> (0)>
module attributes {stable_mosaic.version = 14 : i64} {
  func.func @_tec_kernel(%arg0: i32, %arg1: i32, %arg2: memref<1024x4096xf32, #tpu.memory_space<hbm>>, %arg3: memref<128x8xi32, #tpu.memory_space<hbm>>, %arg4: memref<1024xf32, #tpu.memory_space<hbm>>, %arg5: memref<128x4096xf32, #tpu.memory_space<hbm>>, %arg6: memref<128x4096xf32, #tpu.memory_space<hbm>>, %arg7: memref<4096xf32, #tpu.memory_space<hbm>>, %arg8: memref<32x4096xf32, #tpu.memory_space<hbm>>, %arg9: memref<32x4096xf32, #tpu.memory_space<hbm>>, %arg10: memref<1x8xi32, #tpu.memory_space<vmem>>, %arg11: memref<16xf32, #tpu.memory_space<vmem>>, %arg12: memref<2x8x4096xf32, #tpu.memory_space<vmem>>, %arg13: memref<1x4096xf32, #tpu.memory_space<vmem>>, %arg14: memref<1x4096xf32, #tpu.memory_space<vmem>>, %arg15: memref<4096xf32, #tpu.memory_space<vmem>>, %arg16: memref<2x1x4096xf32, #tpu.memory_space<vmem>>, %arg17: memref<2x1x4096xf32, #tpu.memory_space<vmem>>, %arg18: memref<!tpu.dma_semaphore, #tpu.memory_space<semaphore_mem>>, %arg19: memref<!tpu.dma_semaphore, #tpu.memory_space<semaphore_mem>>, %arg20: memref<!tpu.dma_semaphore, #tpu.memory_space<semaphore_mem>>, %arg21: memref<!tpu.dma_semaphore, #tpu.memory_space<semaphore_mem>>, %arg22: memref<!tpu.dma_semaphore, #tpu.memory_space<semaphore_mem>>, %arg23: memref<!tpu.dma_semaphore, #tpu.memory_space<semaphore_mem>>, %arg24: memref<!tpu.dma_semaphore, #tpu.memory_space<semaphore_mem>>) attributes {dimension_semantics = [#tpu.dimension_semantics<core_parallel>, #tpu.dimension_semantics<subcore_parallel>], iteration_bounds = array<i64: 2, 16>, scalar_prefetch = 0 : i64, scratch_operands = 15 : i64, tpu.core_type = #tpu.core_type<sc_vector_subcore>, window_params = [{transform_indices = #map}, {transform_indices = #map}, {transform_indices = #map1}, {transform_indices = #map}, {transform_indices = #map}, {transform_indices = #map1}, {transform_indices = #map}, {transform_indices = #map}]} {
    %mul3A = arith.constant 2 : i32
    %mul3A_0 = arith.muli %arg1, %mul3A : i32
    %add3A = arith.addi %mul3A_0, %arg0 : i32
    %mul3A_1 = arith.constant 1 : i32
    %mul3A_2 = arith.muli %add3A, %mul3A_1 : i32
    %add3A_3 = arith.constant 96 : i32
    %add3A_4 = arith.addi %add3A_3, %mul3A_2 : i32
    %mul3A_5 = arith.constant 8 : i32
    %mul3A_6 = arith.muli %add3A_4, %mul3A_5 : i32
    %dma_start3A = arith.constant 0 : i32
    %dma_start3A_7 = tpu.memref_slice %arg11[%dma_start3A] : memref<16xf32, #tpu.memory_space<vmem>> -> memref<8xf32, #tpu.memory_space<vmem>>
    %dma_start3A_8 = tpu.memref_slice %arg4[%mul3A_6] : memref<1024xf32, #tpu.memory_space<hbm>> -> memref<8xf32, #tpu.memory_space<hbm>>
    %dma_start3A_9 = arith.constant 0 : i32
    %dma_start3A_10 = tpu.memref_slice %arg11[%dma_start3A_9] : memref<16xf32, #tpu.memory_space<vmem>> -> memref<8xf32, #tpu.memory_space<vmem>>
    %dma_start3A_11 = tpu.memref_slice %arg4[%mul3A_6] : memref<1024xf32, #tpu.memory_space<hbm>> -> memref<8xf32, #tpu.memory_space<hbm>>
    tpu.enqueue_dma source(%dma_start3A_11 : memref<8xf32, #tpu.memory_space<hbm>>) target(%dma_start3A_10 : memref<8xf32, #tpu.memory_space<vmem>>) target_semaphore(%arg20 : memref<!tpu.dma_semaphore, #tpu.memory_space<semaphore_mem>>)
    "tpu.region"() ({
      %run_scoped3A = tpu.sem_alloc : memref<!tpu.dma_semaphore, #tpu.memory_space<semaphore_mem>>
      %dma_start3A_223 = arith.constant 0 : i32
      %dma_start3A_224 = tpu.memref_slice %arg3[%add3A_4, %dma_start3A_223] : memref<128x8xi32, #tpu.memory_space<hbm>> -> memref<1x8xi32, #tpu.memory_space<hbm>>
      %dma_start3A_225 = arith.constant 0 : i32
      %dma_start3A_226 = tpu.memref_slice %arg3[%add3A_4, %dma_start3A_225] : memref<128x8xi32, #tpu.memory_space<hbm>> -> memref<1x8xi32, #tpu.memory_space<hbm>>
      tpu.enqueue_dma source(%dma_start3A_226 : memref<1x8xi32, #tpu.memory_space<hbm>>) target(%arg10 : memref<1x8xi32, #tpu.memory_space<vmem>>) target_semaphore(%run_scoped3A : memref<!tpu.dma_semaphore, #tpu.memory_space<semaphore_mem>>)
      %dma_wait3A_227 = arith.constant 0 : i32
      %dma_wait3A_228 = tpu.memref_slice %arg3[%add3A_4, %dma_wait3A_227] : memref<128x8xi32, #tpu.memory_space<hbm>> -> memref<1x8xi32, #tpu.memory_space<hbm>>
      %dma_wait3A_229 = arith.constant 0 : i32
      %dma_wait3A_230 = tpu.memref_slice %arg3[%add3A_4, %dma_wait3A_229] : memref<128x8xi32, #tpu.memory_space<hbm>> -> memref<1x8xi32, #tpu.memory_space<hbm>>
      tpu.wait_dma2 semaphore(%run_scoped3A : memref<!tpu.dma_semaphore, #tpu.memory_space<semaphore_mem>>) src(%dma_wait3A_230 : memref<1x8xi32, #tpu.memory_space<hbm>>) dst(%arg10 : memref<1x8xi32, #tpu.memory_space<vmem>>)
      tpu.yield
    }) : () -> ()
    %dma_start3A_12 = arith.constant 0 : i32
    %dma_start3A_13 = arith.constant 0 : i32
    %dma_start3A_14 = arith.constant 0 : i32
    %dma_start3A_15 = arith.constant 0 : i32
    %dma_start3A_16 = tpu.memref_slice %arg12[%dma_start3A_13, %dma_start3A_14, %dma_start3A_15] : memref<2x8x4096xf32, #tpu.memory_space<vmem>> -> memref<1x8x4096xf32, #tpu.memory_space<vmem>>
    %dma_start3A_17 = tpu.memref_squeeze %dma_start3A_16 : memref<1x8x4096xf32, #tpu.memory_space<vmem>> -> memref<8x4096xf32, #tpu.memory_space<vmem>>
    %dma_start3A_18 = arith.constant 0 : i32
    %dma_start3A_19 = tpu.memref_slice %arg10[%dma_start3A_12, %dma_start3A_18] : memref<1x8xi32, #tpu.memory_space<vmem>> -> memref<1x8xi32, #tpu.memory_space<vmem>>
    %dma_start3A_20 = tpu.memref_squeeze %dma_start3A_19 : memref<1x8xi32, #tpu.memory_space<vmem>> -> memref<8xi32, #tpu.memory_space<vmem>>
    %dma_start3A_21 = arith.constant 0 : i32
    %dma_start3A_22 = arith.constant 0 : i32
    %dma_start3A_23 = tpu.memref_slice %arg2[%dma_start3A_21, %dma_start3A_22] : memref<1024x4096xf32, #tpu.memory_space<hbm>> -> memref<1024x4096xf32, #tpu.memory_space<hbm>>
    tpu.enqueue_indirect_dma source(%dma_start3A_23 : memref<1024x4096xf32, #tpu.memory_space<hbm>>) target(%dma_start3A_17 : memref<8x4096xf32, #tpu.memory_space<vmem>>) offsets(%dma_start3A_20 : memref<8xi32, #tpu.memory_space<vmem>>) semaphore(%arg18 : memref<!tpu.dma_semaphore, #tpu.memory_space<semaphore_mem>>)
    %dma_start3A_24 = arith.constant 0 : i32
    %dma_start3A_25 = tpu.memref_slice %arg5[%add3A_4, %dma_start3A_24] : memref<128x4096xf32, #tpu.memory_space<hbm>> -> memref<1x4096xf32, #tpu.memory_space<hbm>>
    %dma_start3A_26 = arith.constant 0 : i32
    %dma_start3A_27 = tpu.memref_slice %arg5[%add3A_4, %dma_start3A_26] : memref<128x4096xf32, #tpu.memory_space<hbm>> -> memref<1x4096xf32, #tpu.memory_space<hbm>>
    tpu.enqueue_dma source(%dma_start3A_27 : memref<1x4096xf32, #tpu.memory_space<hbm>>) target(%arg13 : memref<1x4096xf32, #tpu.memory_space<vmem>>) target_semaphore(%arg20 : memref<!tpu.dma_semaphore, #tpu.memory_space<semaphore_mem>>)
    %dma_start3A_28 = arith.constant 0 : i32
    %dma_start3A_29 = tpu.memref_slice %arg6[%add3A_4, %dma_start3A_28] : memref<128x4096xf32, #tpu.memory_space<hbm>> -> memref<1x4096xf32, #tpu.memory_space<hbm>>
    %dma_start3A_30 = arith.constant 0 : i32
    %dma_start3A_31 = tpu.memref_slice %arg6[%add3A_4, %dma_start3A_30] : memref<128x4096xf32, #tpu.memory_space<hbm>> -> memref<1x4096xf32, #tpu.memory_space<hbm>>
    tpu.enqueue_dma source(%dma_start3A_31 : memref<1x4096xf32, #tpu.memory_space<hbm>>) target(%arg14 : memref<1x4096xf32, #tpu.memory_space<vmem>>) target_semaphore(%arg20 : memref<!tpu.dma_semaphore, #tpu.memory_space<semaphore_mem>>)
    tpu.enqueue_dma source(%arg7 : memref<4096xf32, #tpu.memory_space<hbm>>) target(%arg15 : memref<4096xf32, #tpu.memory_space<vmem>>) target_semaphore(%arg20 : memref<!tpu.dma_semaphore, #tpu.memory_space<semaphore_mem>>)
    %dma_wait3A = arith.constant 0 : i32
    %dma_wait3A_32 = arith.constant 0 : i32
    %dma_wait3A_33 = arith.constant 0 : i32
    %dma_wait3A_34 = arith.constant 0 : i32
    %dma_wait3A_35 = tpu.memref_slice %arg12[%dma_wait3A_32, %dma_wait3A_33, %dma_wait3A_34] : memref<2x8x4096xf32, #tpu.memory_space<vmem>> -> memref<1x8x4096xf32, #tpu.memory_space<vmem>>
    %dma_wait3A_36 = tpu.memref_squeeze %dma_wait3A_35 : memref<1x8x4096xf32, #tpu.memory_space<vmem>> -> memref<8x4096xf32, #tpu.memory_space<vmem>>
    %dma_wait3A_37 = arith.constant 0 : i32
    %dma_wait3A_38 = tpu.memref_slice %arg10[%dma_wait3A, %dma_wait3A_37] : memref<1x8xi32, #tpu.memory_space<vmem>> -> memref<1x8xi32, #tpu.memory_space<vmem>>
    %dma_wait3A_39 = tpu.memref_squeeze %dma_wait3A_38 : memref<1x8xi32, #tpu.memory_space<vmem>> -> memref<8xi32, #tpu.memory_space<vmem>>
    %dma_wait3A_40 = arith.constant 0 : i32
    %dma_wait3A_41 = arith.constant 0 : i32
    %dma_wait3A_42 = tpu.memref_slice %arg2[%dma_wait3A_40, %dma_wait3A_41] : memref<1024x4096xf32, #tpu.memory_space<hbm>> -> memref<1024x4096xf32, #tpu.memory_space<hbm>>
    tpu.wait_indirect_dma semaphore(%arg18 : memref<!tpu.dma_semaphore, #tpu.memory_space<semaphore_mem>>) src(%dma_wait3A_42 : memref<1024x4096xf32, #tpu.memory_space<hbm>>) dst(%dma_wait3A_36 : memref<8x4096xf32, #tpu.memory_space<vmem>>)
    %dma_wait3A_43 = arith.constant 0 : i32
    %dma_wait3A_44 = tpu.memref_slice %arg11[%dma_wait3A_43] : memref<16xf32, #tpu.memory_space<vmem>> -> memref<8xf32, #tpu.memory_space<vmem>>
    %dma_wait3A_45 = tpu.memref_slice %arg4[%mul3A_6] : memref<1024xf32, #tpu.memory_space<hbm>> -> memref<8xf32, #tpu.memory_space<hbm>>
    %dma_wait3A_46 = arith.constant 0 : i32
    %dma_wait3A_47 = tpu.memref_slice %arg11[%dma_wait3A_46] : memref<16xf32, #tpu.memory_space<vmem>> -> memref<8xf32, #tpu.memory_space<vmem>>
    %dma_wait3A_48 = tpu.memref_slice %arg4[%mul3A_6] : memref<1024xf32, #tpu.memory_space<hbm>> -> memref<8xf32, #tpu.memory_space<hbm>>
    tpu.wait_dma2 semaphore(%arg20 : memref<!tpu.dma_semaphore, #tpu.memory_space<semaphore_mem>>) src(%dma_wait3A_48 : memref<8xf32, #tpu.memory_space<hbm>>) dst(%dma_wait3A_47 : memref<8xf32, #tpu.memory_space<vmem>>)
    %dma_wait3A_49 = arith.constant 0 : i32
    %dma_wait3A_50 = tpu.memref_slice %arg5[%add3A_4, %dma_wait3A_49] : memref<128x4096xf32, #tpu.memory_space<hbm>> -> memref<1x4096xf32, #tpu.memory_space<hbm>>
    %dma_wait3A_51 = arith.constant 0 : i32
    %dma_wait3A_52 = tpu.memref_slice %arg5[%add3A_4, %dma_wait3A_51] : memref<128x4096xf32, #tpu.memory_space<hbm>> -> memref<1x4096xf32, #tpu.memory_space<hbm>>
    tpu.wait_dma2 semaphore(%arg20 : memref<!tpu.dma_semaphore, #tpu.memory_space<semaphore_mem>>) src(%dma_wait3A_52 : memref<1x4096xf32, #tpu.memory_space<hbm>>) dst(%arg13 : memref<1x4096xf32, #tpu.memory_space<vmem>>)
    %dma_wait3A_53 = arith.constant 0 : i32
    %dma_wait3A_54 = tpu.memref_slice %arg6[%add3A_4, %dma_wait3A_53] : memref<128x4096xf32, #tpu.memory_space<hbm>> -> memref<1x4096xf32, #tpu.memory_space<hbm>>
    %dma_wait3A_55 = arith.constant 0 : i32
    %dma_wait3A_56 = tpu.memref_slice %arg6[%add3A_4, %dma_wait3A_55] : memref<128x4096xf32, #tpu.memory_space<hbm>> -> memref<1x4096xf32, #tpu.memory_space<hbm>>
    tpu.wait_dma2 semaphore(%arg20 : memref<!tpu.dma_semaphore, #tpu.memory_space<semaphore_mem>>) src(%dma_wait3A_56 : memref<1x4096xf32, #tpu.memory_space<hbm>>) dst(%arg14 : memref<1x4096xf32, #tpu.memory_space<vmem>>)
    tpu.wait_dma2 semaphore(%arg20 : memref<!tpu.dma_semaphore, #tpu.memory_space<semaphore_mem>>) src(%arg7 : memref<4096xf32, #tpu.memory_space<hbm>>) dst(%arg15 : memref<4096xf32, #tpu.memory_space<vmem>>)
    %get3A = arith.constant 0 : index
    %get3A_57 = tpu.vector_load %arg11[%get3A] {strides = array<i32>} : memref<16xf32, #tpu.memory_space<vmem>>, vector<16xf32>,
    %get3A_58 = vector.shape_cast %get3A_57 : vector<16xf32> to vector<16xf32>
    %slice3A = vector.extract_strided_slice %get3A_58 {offsets = [0], sizes = [1], strides = [1]} : vector<16xf32> to vector<1xf32>
    %squeeze3A = vector.extract %slice3A[0] : f32 from vector<1xf32>
    %slice3A_59 = vector.extract_strided_slice %get3A_58 {offsets = [1], sizes = [1], strides = [1]} : vector<16xf32> to vector<1xf32>
    %squeeze3A_60 = vector.extract %slice3A_59[0] : f32 from vector<1xf32>
    %slice3A_61 = vector.extract_strided_slice %get3A_58 {offsets = [2], sizes = [1], strides = [1]} : vector<16xf32> to vector<1xf32>
    %squeeze3A_62 = vector.extract %slice3A_61[0] : f32 from vector<1xf32>
    %slice3A_63 = vector.extract_strided_slice %get3A_58 {offsets = [3], sizes = [1], strides = [1]} : vector<16xf32> to vector<1xf32>
    %squeeze3A_64 = vector.extract %slice3A_63[0] : f32 from vector<1xf32>
    %slice3A_65 = vector.extract_strided_slice %get3A_58 {offsets = [4], sizes = [1], strides = [1]} : vector<16xf32> to vector<1xf32>
    %squeeze3A_66 = vector.extract %slice3A_65[0] : f32 from vector<1xf32>
    %slice3A_67 = vector.extract_strided_slice %get3A_58 {offsets = [5], sizes = [1], strides = [1]} : vector<16xf32> to vector<1xf32>
    %squeeze3A_68 = vector.extract %slice3A_67[0] : f32 from vector<1xf32>
    %slice3A_69 = vector.extract_strided_slice %get3A_58 {offsets = [6], sizes = [1], strides = [1]} : vector<16xf32> to vector<1xf32>
    %squeeze3A_70 = vector.extract %slice3A_69[0] : f32 from vector<1xf32>
    %slice3A_71 = vector.extract_strided_slice %get3A_58 {offsets = [7], sizes = [1], strides = [1]} : vector<16xf32> to vector<1xf32>
    %squeeze3A_72 = vector.extract %slice3A_71[0] : f32 from vector<1xf32>
    %broadcast_in_dim3A = arith.constant 0.000000e+00 : f32
    %broadcast_in_dim3A_73 = vector.broadcast %broadcast_in_dim3A : f32 to vector<16xf32>
    %broadcast_in_dim3A_74 = arith.constant 0.000000e+00 : f32
    %broadcast_in_dim3A_75 = vector.broadcast %broadcast_in_dim3A_74 : f32 to vector<16xf32>
    %parallel_loop3A = arith.constant 0 : i32
    %parallel_loop3A_76 = arith.constant 256 : i32
    %parallel_loop3A_77 = arith.constant 2 : i32
    %parallel_loop3A_78:2 = scf.for %parallel_loop3A_223 = %parallel_loop3A to %parallel_loop3A_76 step %parallel_loop3A_77 iter_args(%parallel_loop3A_224 = %broadcast_in_dim3A_73, %parallel_loop3A_225 = %broadcast_in_dim3A_75) -> (vector<16xf32>, vector<16xf32>)  : i32 {
      %parallel_loop3A_226 = arith.constant 16 : i32
      %parallel_loop3A_227 = arith.muli %parallel_loop3A_223, %parallel_loop3A_226 : i32
      %parallel_loop3A_228 = arith.constant 0 : i32
      %parallel_loop3A_229 = arith.constant 0 : i32
      %parallel_loop3A_230 = arith.index_cast %parallel_loop3A_228 : i32 to index
      %parallel_loop3A_231 = arith.index_cast %parallel_loop3A_229 : i32 to index
      %parallel_loop3A_232 = arith.index_cast %parallel_loop3A_227 : i32 to index
      %parallel_loop3A_233 = tpu.vector_load %arg12[%parallel_loop3A_230, %parallel_loop3A_231, %parallel_loop3A_232] {strides = array<i32>} : memref<2x8x4096xf32, #tpu.memory_space<vmem>>, vector<1x1x16xf32>,
      %parallel_loop3A_234 = vector.shape_cast %parallel_loop3A_233 : vector<1x1x16xf32> to vector<16xf32>
      %parallel_loop3A_235 = vector.broadcast %squeeze3A : f32 to vector<16xf32>
      %parallel_loop3A_236 = arith.mulf %parallel_loop3A_234, %parallel_loop3A_235 : vector<16xf32>
      %parallel_loop3A_237 = arith.constant 0 : i32
      %parallel_loop3A_238 = arith.constant 1 : i32
      %parallel_loop3A_239 = arith.index_cast %parallel_loop3A_237 : i32 to index
      %parallel_loop3A_240 = arith.index_cast %parallel_loop3A_238 : i32 to index
      %parallel_loop3A_241 = arith.index_cast %parallel_loop3A_227 : i32 to index
      %parallel_loop3A_242 = tpu.vector_load %arg12[%parallel_loop3A_239, %parallel_loop3A_240, %parallel_loop3A_241] {strides = array<i32>} : memref<2x8x4096xf32, #tpu.memory_space<vmem>>, vector<1x1x16xf32>,
      %parallel_loop3A_243 = vector.shape_cast %parallel_loop3A_242 : vector<1x1x16xf32> to vector<16xf32>
      %parallel_loop3A_244 = vector.broadcast %squeeze3A_60 : f32 to vector<16xf32>
      %parallel_loop3A_245 = arith.mulf %parallel_loop3A_243, %parallel_loop3A_244 : vector<16xf32>
      %parallel_loop3A_246 = arith.constant 0 : i32
      %parallel_loop3A_247 = arith.constant 2 : i32
      %parallel_loop3A_248 = arith.index_cast %parallel_loop3A_246 : i32 to index
      %parallel_loop3A_249 = arith.index_cast %parallel_loop3A_247 : i32 to index
      %parallel_loop3A_250 = arith.index_cast %parallel_loop3A_227 : i32 to index
      %parallel_loop3A_251 = tpu.vector_load %arg12[%parallel_loop3A_248, %parallel_loop3A_249, %parallel_loop3A_250] {strides = array<i32>} : memref<2x8x4096xf32, #tpu.memory_space<vmem>>, vector<1x1x16xf32>,
      %parallel_loop3A_252 = vector.shape_cast %parallel_loop3A_251 : vector<1x1x16xf32> to vector<16xf32>
      %parallel_loop3A_253 = vector.broadcast %squeeze3A_62 : f32 to vector<16xf32>
      %parallel_loop3A_254 = arith.mulf %parallel_loop3A_252, %parallel_loop3A_253 : vector<16xf32>
      %parallel_loop3A_255 = arith.constant 0 : i32
      %parallel_loop3A_256 = arith.constant 3 : i32
      %parallel_loop3A_257 = arith.index_cast %parallel_loop3A_255 : i32 to index
      %parallel_loop3A_258 = arith.index_cast %parallel_loop3A_256 : i32 to index
      %parallel_loop3A_259 = arith.index_cast %parallel_loop3A_227 : i32 to index
      %parallel_loop3A_260 = tpu.vector_load %arg12[%parallel_loop3A_257, %parallel_loop3A_258, %parallel_loop3A_259] {strides = array<i32>} : memref<2x8x4096xf32, #tpu.memory_space<vmem>>, vector<1x1x16xf32>,
      %parallel_loop3A_261 = vector.shape_cast %parallel_loop3A_260 : vector<1x1x16xf32> to vector<16xf32>
      %parallel_loop3A_262 = vector.broadcast %squeeze3A_64 : f32 to vector<16xf32>
      %parallel_loop3A_263 = arith.mulf %parallel_loop3A_261, %parallel_loop3A_262 : vector<16xf32>
      %parallel_loop3A_264 = arith.constant 0 : i32
      %parallel_loop3A_265 = arith.constant 4 : i32
      %parallel_loop3A_266 = arith.index_cast %parallel_loop3A_264 : i32 to index
      %parallel_loop3A_267 = arith.index_cast %parallel_loop3A_265 : i32 to index
      %parallel_loop3A_268 = arith.index_cast %parallel_loop3A_227 : i32 to index
      %parallel_loop3A_269 = tpu.vector_load %arg12[%parallel_loop3A_266, %parallel_loop3A_267, %parallel_loop3A_268] {strides = array<i32>} : memref<2x8x4096xf32, #tpu.memory_space<vmem>>, vector<1x1x16xf32>,
      %parallel_loop3A_270 = vector.shape_cast %parallel_loop3A_269 : vector<1x1x16xf32> to vector<16xf32>
      %parallel_loop3A_271 = vector.broadcast %squeeze3A_66 : f32 to vector<16xf32>
      %parallel_loop3A_272 = arith.mulf %parallel_loop3A_270, %parallel_loop3A_271 : vector<16xf32>
      %parallel_loop3A_273 = arith.constant 0 : i32
      %parallel_loop3A_274 = arith.constant 5 : i32
      %parallel_loop3A_275 = arith.index_cast %parallel_loop3A_273 : i32 to index
      %parallel_loop3A_276 = arith.index_cast %parallel_loop3A_274 : i32 to index
      %parallel_loop3A_277 = arith.index_cast %parallel_loop3A_227 : i32 to index
      %parallel_loop3A_278 = tpu.vector_load %arg12[%parallel_loop3A_275, %parallel_loop3A_276, %parallel_loop3A_277] {strides = array<i32>} : memref<2x8x4096xf32, #tpu.memory_space<vmem>>, vector<1x1x16xf32>,
      %parallel_loop3A_279 = vector.shape_cast %parallel_loop3A_278 : vector<1x1x16xf32> to vector<16xf32>
      %parallel_loop3A_280 = vector.broadcast %squeeze3A_68 : f32 to vector<16xf32>
      %parallel_loop3A_281 = arith.mulf %parallel_loop3A_279, %parallel_loop3A_280 : vector<16xf32>
      %parallel_loop3A_282 = arith.constant 0 : i32
      %parallel_loop3A_283 = arith.constant 6 : i32
      %parallel_loop3A_284 = arith.index_cast %parallel_loop3A_282 : i32 to index
      %parallel_loop3A_285 = arith.index_cast %parallel_loop3A_283 : i32 to index
      %parallel_loop3A_286 = arith.index_cast %parallel_loop3A_227 : i32 to index
      %parallel_loop3A_287 = tpu.vector_load %arg12[%parallel_loop3A_284, %parallel_loop3A_285, %parallel_loop3A_286] {strides = array<i32>} : memref<2x8x4096xf32, #tpu.memory_space<vmem>>, vector<1x1x16xf32>,
      %parallel_loop3A_288 = vector.shape_cast %parallel_loop3A_287 : vector<1x1x16xf32> to vector<16xf32>
      %parallel_loop3A_289 = vector.broadcast %squeeze3A_70 : f32 to vector<16xf32>
      %parallel_loop3A_290 = arith.mulf %parallel_loop3A_288, %parallel_loop3A_289 : vector<16xf32>
      %parallel_loop3A_291 = arith.constant 0 : i32
      %parallel_loop3A_292 = arith.constant 7 : i32
      %parallel_loop3A_293 = arith.index_cast %parallel_loop3A_291 : i32 to index
      %parallel_loop3A_294 = arith.index_cast %parallel_loop3A_292 : i32 to index
      %parallel_loop3A_295 = arith.index_cast %parallel_loop3A_227 : i32 to index
      %parallel_loop3A_296 = tpu.vector_load %arg12[%parallel_loop3A_293, %parallel_loop3A_294, %parallel_loop3A_295] {strides = array<i32>} : memref<2x8x4096xf32, #tpu.memory_space<vmem>>, vector<1x1x16xf32>,
      %parallel_loop3A_297 = vector.shape_cast %parallel_loop3A_296 : vector<1x1x16xf32> to vector<16xf32>
      %parallel_loop3A_298 = vector.broadcast %squeeze3A_72 : f32 to vector<16xf32>
      %parallel_loop3A_299 = arith.mulf %parallel_loop3A_297, %parallel_loop3A_298 : vector<16xf32>
      %parallel_loop3A_300 = arith.addf %parallel_loop3A_236, %parallel_loop3A_245 : vector<16xf32>
      %parallel_loop3A_301 = arith.addf %parallel_loop3A_254, %parallel_loop3A_263 : vector<16xf32>
      %parallel_loop3A_302 = arith.addf %parallel_loop3A_272, %parallel_loop3A_281 : vector<16xf32>
      %parallel_loop3A_303 = arith.addf %parallel_loop3A_290, %parallel_loop3A_299 : vector<16xf32>
      %parallel_loop3A_304 = arith.addf %parallel_loop3A_300, %parallel_loop3A_301 : vector<16xf32>
      %parallel_loop3A_305 = arith.constant 0 : i32
      %parallel_loop3A_306 = arith.index_cast %parallel_loop3A_305 : i32 to index
      %parallel_loop3A_307 = arith.index_cast %parallel_loop3A_227 : i32 to index
      %parallel_loop3A_308 = tpu.vector_load %arg13[%parallel_loop3A_306, %parallel_loop3A_307] {strides = array<i32>} : memref<1x4096xf32, #tpu.memory_space<vmem>>, vector<1x16xf32>,
      %parallel_loop3A_309 = vector.shape_cast %parallel_loop3A_308 : vector<1x16xf32> to vector<16xf32>
      %parallel_loop3A_310 = arith.constant 0 : i32
      %parallel_loop3A_311 = arith.index_cast %parallel_loop3A_310 : i32 to index
      %parallel_loop3A_312 = arith.index_cast %parallel_loop3A_227 : i32 to index
      %parallel_loop3A_313 = tpu.vector_load %arg14[%parallel_loop3A_311, %parallel_loop3A_312] {strides = array<i32>} : memref<1x4096xf32, #tpu.memory_space<vmem>>, vector<1x16xf32>,
      %parallel_loop3A_314 = vector.shape_cast %parallel_loop3A_313 : vector<1x16xf32> to vector<16xf32>
      %parallel_loop3A_315 = arith.addf %parallel_loop3A_309, %parallel_loop3A_314 : vector<16xf32>
      %parallel_loop3A_316 = arith.addf %parallel_loop3A_304, %parallel_loop3A_315 : vector<16xf32>
      %parallel_loop3A_317 = arith.addf %parallel_loop3A_302, %parallel_loop3A_303 : vector<16xf32>
      %parallel_loop3A_318 = arith.addf %parallel_loop3A_316, %parallel_loop3A_317 : vector<16xf32>
      %parallel_loop3A_319 = arith.constant 1 : i32
      %parallel_loop3A_320 = arith.addi %parallel_loop3A_223, %parallel_loop3A_319 : i32
      %parallel_loop3A_321 = arith.constant 16 : i32
      %parallel_loop3A_322 = arith.muli %parallel_loop3A_320, %parallel_loop3A_321 : i32
      %parallel_loop3A_323 = arith.constant 0 : i32
      %parallel_loop3A_324 = arith.constant 0 : i32
      %parallel_loop3A_325 = arith.index_cast %parallel_loop3A_323 : i32 to index
      %parallel_loop3A_326 = arith.index_cast %parallel_loop3A_324 : i32 to index
      %parallel_loop3A_327 = arith.index_cast %parallel_loop3A_322 : i32 to index
      %parallel_loop3A_328 = tpu.vector_load %arg12[%parallel_loop3A_325, %parallel_loop3A_326, %parallel_loop3A_327] {strides = array<i32>} : memref<2x8x4096xf32, #tpu.memory_space<vmem>>, vector<1x1x16xf32>,
      %parallel_loop3A_329 = vector.shape_cast %parallel_loop3A_328 : vector<1x1x16xf32> to vector<16xf32>
      %parallel_loop3A_330 = vector.broadcast %squeeze3A : f32 to vector<16xf32>
      %parallel_loop3A_331 = arith.mulf %parallel_loop3A_329, %parallel_loop3A_330 : vector<16xf32>
      %parallel_loop3A_332 = arith.constant 0 : i32
      %parallel_loop3A_333 = arith.constant 1 : i32
      %parallel_loop3A_334 = arith.index_cast %parallel_loop3A_332 : i32 to index
      %parallel_loop3A_335 = arith.index_cast %parallel_loop3A_333 : i32 to index
      %parallel_loop3A_336 = arith.index_cast %parallel_loop3A_322 : i32 to index
      %parallel_loop3A_337 = tpu.vector_load %arg12[%parallel_loop3A_334, %parallel_loop3A_335, %parallel_loop3A_336] {strides = array<i32>} : memref<2x8x4096xf32, #tpu.memory_space<vmem>>, vector<1x1x16xf32>,
      %parallel_loop3A_338 = vector.shape_cast %parallel_loop3A_337 : vector<1x1x16xf32> to vector<16xf32>
      %parallel_loop3A_339 = vector.broadcast %squeeze3A_60 : f32 to vector<16xf32>
      %parallel_loop3A_340 = arith.mulf %parallel_loop3A_338, %parallel_loop3A_339 : vector<16xf32>
      %parallel_loop3A_341 = arith.constant 0 : i32
      %parallel_loop3A_342 = arith.constant 2 : i32
      %parallel_loop3A_343 = arith.index_cast %parallel_loop3A_341 : i32 to index
      %parallel_loop3A_344 = arith.index_cast %parallel_loop3A_342 : i32 to index
      %parallel_loop3A_345 = arith.index_cast %parallel_loop3A_322 : i32 to index
      %parallel_loop3A_346 = tpu.vector_load %arg12[%parallel_loop3A_343, %parallel_loop3A_344, %parallel_loop3A_345] {strides = array<i32>} : memref<2x8x4096xf32, #tpu.memory_space<vmem>>, vector<1x1x16xf32>,
      %parallel_loop3A_347 = vector.shape_cast %parallel_loop3A_346 : vector<1x1x16xf32> to vector<16xf32>
      %parallel_loop3A_348 = vector.broadcast %squeeze3A_62 : f32 to vector<16xf32>
      %parallel_loop3A_349 = arith.mulf %parallel_loop3A_347, %parallel_loop3A_348 : vector<16xf32>
      %parallel_loop3A_350 = arith.constant 0 : i32
      %parallel_loop3A_351 = arith.constant 3 : i32
      %parallel_loop3A_352 = arith.index_cast %parallel_loop3A_350 : i32 to index
      %parallel_loop3A_353 = arith.index_cast %parallel_loop3A_351 : i32 to index
      %parallel_loop3A_354 = arith.index_cast %parallel_loop3A_322 : i32 to index
      %parallel_loop3A_355 = tpu.vector_load %arg12[%parallel_loop3A_352, %parallel_loop3A_353, %parallel_loop3A_354] {strides = array<i32>} : memref<2x8x4096xf32, #tpu.memory_space<vmem>>, vector<1x1x16xf32>,
      %parallel_loop3A_356 = vector.shape_cast %parallel_loop3A_355 : vector<1x1x16xf32> to vector<16xf32>
      %parallel_loop3A_357 = vector.broadcast %squeeze3A_64 : f32 to vector<16xf32>
      %parallel_loop3A_358 = arith.mulf %parallel_loop3A_356, %parallel_loop3A_357 : vector<16xf32>
      %parallel_loop3A_359 = arith.constant 0 : i32
      %parallel_loop3A_360 = arith.constant 4 : i32
      %parallel_loop3A_361 = arith.index_cast %parallel_loop3A_359 : i32 to index
      %parallel_loop3A_362 = arith.index_cast %parallel_loop3A_360 : i32 to index
      %parallel_loop3A_363 = arith.index_cast %parallel_loop3A_322 : i32 to index
      %parallel_loop3A_364 = tpu.vector_load %arg12[%parallel_loop3A_361, %parallel_loop3A_362, %parallel_loop3A_363] {strides = array<i32>} : memref<2x8x4096xf32, #tpu.memory_space<vmem>>, vector<1x1x16xf32>,
      %parallel_loop3A_365 = vector.shape_cast %parallel_loop3A_364 : vector<1x1x16xf32> to vector<16xf32>
      %parallel_loop3A_366 = vector.broadcast %squeeze3A_66 : f32 to vector<16xf32>
      %parallel_loop3A_367 = arith.mulf %parallel_loop3A_365, %parallel_loop3A_366 : vector<16xf32>
      %parallel_loop3A_368 = arith.constant 0 : i32
      %parallel_loop3A_369 = arith.constant 5 : i32
      %parallel_loop3A_370 = arith.index_cast %parallel_loop3A_368 : i32 to index
      %parallel_loop3A_371 = arith.index_cast %parallel_loop3A_369 : i32 to index
      %parallel_loop3A_372 = arith.index_cast %parallel_loop3A_322 : i32 to index
      %parallel_loop3A_373 = tpu.vector_load %arg12[%parallel_loop3A_370, %parallel_loop3A_371, %parallel_loop3A_372] {strides = array<i32>} : memref<2x8x4096xf32, #tpu.memory_space<vmem>>, vector<1x1x16xf32>,
      %parallel_loop3A_374 = vector.shape_cast %parallel_loop3A_373 : vector<1x1x16xf32> to vector<16xf32>
      %parallel_loop3A_375 = vector.broadcast %squeeze3A_68 : f32 to vector<16xf32>
      %parallel_loop3A_376 = arith.mulf %parallel_loop3A_374, %parallel_loop3A_375 : vector<16xf32>
      %parallel_loop3A_377 = arith.constant 0 : i32
      %parallel_loop3A_378 = arith.constant 6 : i32
      %parallel_loop3A_379 = arith.index_cast %parallel_loop3A_377 : i32 to index
      %parallel_loop3A_380 = arith.index_cast %parallel_loop3A_378 : i32 to index
      %parallel_loop3A_381 = arith.index_cast %parallel_loop3A_322 : i32 to index
      %parallel_loop3A_382 = tpu.vector_load %arg12[%parallel_loop3A_379, %parallel_loop3A_380, %parallel_loop3A_381] {strides = array<i32>} : memref<2x8x4096xf32, #tpu.memory_space<vmem>>, vector<1x1x16xf32>,
      %parallel_loop3A_383 = vector.shape_cast %parallel_loop3A_382 : vector<1x1x16xf32> to vector<16xf32>
      %parallel_loop3A_384 = vector.broadcast %squeeze3A_70 : f32 to vector<16xf32>
      %parallel_loop3A_385 = arith.mulf %parallel_loop3A_383, %parallel_loop3A_384 : vector<16xf32>
      %parallel_loop3A_386 = arith.constant 0 : i32
      %parallel_loop3A_387 = arith.constant 7 : i32
      %parallel_loop3A_388 = arith.index_cast %parallel_loop3A_386 : i32 to index
      %parallel_loop3A_389 = arith.index_cast %parallel_loop3A_387 : i32 to index
      %parallel_loop3A_390 = arith.index_cast %parallel_loop3A_322 : i32 to index
      %parallel_loop3A_391 = tpu.vector_load %arg12[%parallel_loop3A_388, %parallel_loop3A_389, %parallel_loop3A_390] {strides = array<i32>} : memref<2x8x4096xf32, #tpu.memory_space<vmem>>, vector<1x1x16xf32>,
      %parallel_loop3A_392 = vector.shape_cast %parallel_loop3A_391 : vector<1x1x16xf32> to vector<16xf32>
      %parallel_loop3A_393 = vector.broadcast %squeeze3A_72 : f32 to vector<16xf32>
      %parallel_loop3A_394 = arith.mulf %parallel_loop3A_392, %parallel_loop3A_393 : vector<16xf32>
      %parallel_loop3A_395 = arith.addf %parallel_loop3A_331, %parallel_loop3A_340 : vector<16xf32>
      %parallel_loop3A_396 = arith.addf %parallel_loop3A_349, %parallel_loop3A_358 : vector<16xf32>
      %parallel_loop3A_397 = arith.addf %parallel_loop3A_367, %parallel_loop3A_376 : vector<16xf32>
      %parallel_loop3A_398 = arith.addf %parallel_loop3A_385, %parallel_loop3A_394 : vector<16xf32>
      %parallel_loop3A_399 = arith.addf %parallel_loop3A_395, %parallel_loop3A_396 : vector<16xf32>
      %parallel_loop3A_400 = arith.constant 0 : i32
      %parallel_loop3A_401 = arith.index_cast %parallel_loop3A_400 : i32 to index
      %parallel_loop3A_402 = arith.index_cast %parallel_loop3A_322 : i32 to index
      %parallel_loop3A_403 = tpu.vector_load %arg13[%parallel_loop3A_401, %parallel_loop3A_402] {strides = array<i32>} : memref<1x4096xf32, #tpu.memory_space<vmem>>, vector<1x16xf32>,
      %parallel_loop3A_404 = vector.shape_cast %parallel_loop3A_403 : vector<1x16xf32> to vector<16xf32>
      %parallel_loop3A_405 = arith.constant 0 : i32
      %parallel_loop3A_406 = arith.index_cast %parallel_loop3A_405 : i32 to index
      %parallel_loop3A_407 = arith.index_cast %parallel_loop3A_322 : i32 to index
      %parallel_loop3A_408 = tpu.vector_load %arg14[%parallel_loop3A_406, %parallel_loop3A_407] {strides = array<i32>} : memref<1x4096xf32, #tpu.memory_space<vmem>>, vector<1x16xf32>,
      %parallel_loop3A_409 = vector.shape_cast %parallel_loop3A_408 : vector<1x16xf32> to vector<16xf32>
      %parallel_loop3A_410 = arith.addf %parallel_loop3A_404, %parallel_loop3A_409 : vector<16xf32>
      %parallel_loop3A_411 = arith.addf %parallel_loop3A_399, %parallel_loop3A_410 : vector<16xf32>
      %parallel_loop3A_412 = arith.addf %parallel_loop3A_397, %parallel_loop3A_398 : vector<16xf32>
      %parallel_loop3A_413 = arith.addf %parallel_loop3A_411, %parallel_loop3A_412 : vector<16xf32>
      %parallel_loop3A_414 = arith.constant 16 : i32
      %parallel_loop3A_415 = arith.muli %parallel_loop3A_223, %parallel_loop3A_414 : i32
      %parallel_loop3A_416 = arith.constant 0 : i32
      %parallel_loop3A_417 = arith.constant 0 : i32
      %parallel_loop3A_418 = arith.index_cast %parallel_loop3A_416 : i32 to index
      %parallel_loop3A_419 = arith.index_cast %parallel_loop3A_417 : i32 to index
      %parallel_loop3A_420 = arith.index_cast %parallel_loop3A_415 : i32 to index
      %parallel_loop3A_421 = tpu.vector_load %arg16[%parallel_loop3A_418, %parallel_loop3A_419, %parallel_loop3A_420] {strides = array<i32>} : memref<2x1x4096xf32, #tpu.memory_space<vmem>>, vector<1x1x16xf32>,
      %parallel_loop3A_422 = vector.shape_cast %parallel_loop3A_421 : vector<1x1x16xf32> to vector<16xf32>
      %parallel_loop3A_423 = vector.shape_cast %parallel_loop3A_318 : vector<16xf32> to vector<1x1x16xf32>
      tpu.vector_store %arg16[%parallel_loop3A_418, %parallel_loop3A_419, %parallel_loop3A_420], %parallel_loop3A_423 {strides = array<i32>} : memref<2x1x4096xf32, #tpu.memory_space<vmem>>, vector<1x1x16xf32>,
      %parallel_loop3A_424 = arith.constant 1 : i32
      %parallel_loop3A_425 = arith.addi %parallel_loop3A_223, %parallel_loop3A_424 : i32
      %parallel_loop3A_426 = arith.constant 16 : i32
      %parallel_loop3A_427 = arith.muli %parallel_loop3A_425, %parallel_loop3A_426 : i32
      %parallel_loop3A_428 = arith.constant 0 : i32
      %parallel_loop3A_429 = arith.constant 0 : i32
      %parallel_loop3A_430 = arith.index_cast %parallel_loop3A_428 : i32 to index
      %parallel_loop3A_431 = arith.index_cast %parallel_loop3A_429 : i32 to index
      %parallel_loop3A_432 = arith.index_cast %parallel_loop3A_427 : i32 to index
      %parallel_loop3A_433 = tpu.vector_load %arg16[%parallel_loop3A_430, %parallel_loop3A_431, %parallel_loop3A_432] {strides = array<i32>} : memref<2x1x4096xf32, #tpu.memory_space<vmem>>, vector<1x1x16xf32>,
      %parallel_loop3A_434 = vector.shape_cast %parallel_loop3A_433 : vector<1x1x16xf32> to vector<16xf32>
      %parallel_loop3A_435 = vector.shape_cast %parallel_loop3A_413 : vector<16xf32> to vector<1x1x16xf32>
      tpu.vector_store %arg16[%parallel_loop3A_430, %parallel_loop3A_431, %parallel_loop3A_432], %parallel_loop3A_435 {strides = array<i32>} : memref<2x1x4096xf32, #tpu.memory_space<vmem>>, vector<1x1x16xf32>,
      %parallel_loop3A_436 = arith.mulf %parallel_loop3A_318, %parallel_loop3A_318 : vector<16xf32>
      %parallel_loop3A_437 = arith.addf %parallel_loop3A_224, %parallel_loop3A_436 : vector<16xf32>
      %parallel_loop3A_438 = arith.mulf %parallel_loop3A_413, %parallel_loop3A_413 : vector<16xf32>
      %parallel_loop3A_439 = arith.addf %parallel_loop3A_225, %parallel_loop3A_438 : vector<16xf32>
      scf.yield %parallel_loop3A_437, %parallel_loop3A_439 : vector<16xf32>, vector<16xf32>
    } {sc.loop_unroll_factor = 1 : i64, sc.parallel_access}
    %add3A_79 = arith.addf %parallel_loop3A_78#0, %parallel_loop3A_78#1 : vector<16xf32>
    %add3A_80 = arith.constant 0 : i32
    %add3A_81 = arith.addi %mul3A_2, %add3A_80 : i32
    %dma_start3A_82 = arith.constant 0 : i32
    %dma_start3A_83 = arith.constant 0 : i32
    %dma_start3A_84 = arith.constant 0 : i32
    %dma_start3A_85 = tpu.memref_slice %arg16[%dma_start3A_82, %dma_start3A_83, %dma_start3A_84] : memref<2x1x4096xf32, #tpu.memory_space<vmem>> -> memref<1x1x4096xf32, #tpu.memory_space<vmem>>
    %dma_start3A_86 = tpu.memref_squeeze %dma_start3A_85 : memref<1x1x4096xf32, #tpu.memory_space<vmem>> -> memref<1x4096xf32, #tpu.memory_space<vmem>>
    %dma_start3A_87 = arith.constant 0 : i32
    %dma_start3A_88 = tpu.memref_slice %arg9[%add3A_81, %dma_start3A_87] : memref<32x4096xf32, #tpu.memory_space<hbm>> -> memref<1x4096xf32, #tpu.memory_space<hbm>>
    %dma_start3A_89 = arith.constant 0 : i32
    %dma_start3A_90 = tpu.memref_slice %arg9[%add3A_81, %dma_start3A_89] : memref<32x4096xf32, #tpu.memory_space<hbm>> -> memref<1x4096xf32, #tpu.memory_space<hbm>>
    %dma_start3A_91 = arith.constant 0 : i32
    %dma_start3A_92 = arith.constant 0 : i32
    %dma_start3A_93 = tpu.memref_slice %arg16[%dma_start3A_82, %dma_start3A_91, %dma_start3A_92] : memref<2x1x4096xf32, #tpu.memory_space<vmem>> -> memref<1x1x4096xf32, #tpu.memory_space<vmem>>
    %dma_start3A_94 = tpu.memref_squeeze %dma_start3A_93 : memref<1x1x4096xf32, #tpu.memory_space<vmem>> -> memref<1x4096xf32, #tpu.memory_space<vmem>>
    tpu.enqueue_dma source(%dma_start3A_94 : memref<1x4096xf32, #tpu.memory_space<vmem>>) target(%dma_start3A_90 : memref<1x4096xf32, #tpu.memory_space<hbm>>) target_semaphore(%arg21 : memref<!tpu.dma_semaphore, #tpu.memory_space<semaphore_mem>>)
    %slice3A_95 = vector.extract_strided_slice %add3A_79 {offsets = [0], sizes = [1], strides = [1]} : vector<16xf32> to vector<1xf32>
    %squeeze3A_96 = vector.extract %slice3A_95[0] : f32 from vector<1xf32>
    %slice3A_97 = vector.extract_strided_slice %add3A_79 {offsets = [1], sizes = [1], strides = [1]} : vector<16xf32> to vector<1xf32>
    %squeeze3A_98 = vector.extract %slice3A_97[0] : f32 from vector<1xf32>
    %add3A_99 = arith.addf %squeeze3A_96, %squeeze3A_98 : f32
    %slice3A_100 = vector.extract_strided_slice %add3A_79 {offsets = [2], sizes = [1], strides = [1]} : vector<16xf32> to vector<1xf32>
    %squeeze3A_101 = vector.extract %slice3A_100[0] : f32 from vector<1xf32>
    %add3A_102 = arith.addf %add3A_99, %squeeze3A_101 : f32
    %slice3A_103 = vector.extract_strided_slice %add3A_79 {offsets = [3], sizes = [1], strides = [1]} : vector<16xf32> to vector<1xf32>
    %squeeze3A_104 = vector.extract %slice3A_103[0] : f32 from vector<1xf32>
    %add3A_105 = arith.addf %add3A_102, %squeeze3A_104 : f32
    %slice3A_106 = vector.extract_strided_slice %add3A_79 {offsets = [4], sizes = [1], strides = [1]} : vector<16xf32> to vector<1xf32>
    %squeeze3A_107 = vector.extract %slice3A_106[0] : f32 from vector<1xf32>
    %add3A_108 = arith.addf %add3A_105, %squeeze3A_107 : f32
    %slice3A_109 = vector.extract_strided_slice %add3A_79 {offsets = [5], sizes = [1], strides = [1]} : vector<16xf32> to vector<1xf32>
    %squeeze3A_110 = vector.extract %slice3A_109[0] : f32 from vector<1xf32>
    %add3A_111 = arith.addf %add3A_108, %squeeze3A_110 : f32
    %slice3A_112 = vector.extract_strided_slice %add3A_79 {offsets = [6], sizes = [1], strides = [1]} : vector<16xf32> to vector<1xf32>
    %squeeze3A_113 = vector.extract %slice3A_112[0] : f32 from vector<1xf32>
    %add3A_114 = arith.addf %add3A_111, %squeeze3A_113 : f32
    %slice3A_115 = vector.extract_strided_slice %add3A_79 {offsets = [7], sizes = [1], strides = [1]} : vector<16xf32> to vector<1xf32>
    %squeeze3A_116 = vector.extract %slice3A_115[0] : f32 from vector<1xf32>
    %add3A_117 = arith.addf %add3A_114, %squeeze3A_116 : f32
    %slice3A_118 = vector.extract_strided_slice %add3A_79 {offsets = [8], sizes = [1], strides = [1]} : vector<16xf32> to vector<1xf32>
    %squeeze3A_119 = vector.extract %slice3A_118[0] : f32 from vector<1xf32>
    %add3A_120 = arith.addf %add3A_117, %squeeze3A_119 : f32
    %slice3A_121 = vector.extract_strided_slice %add3A_79 {offsets = [9], sizes = [1], strides = [1]} : vector<16xf32> to vector<1xf32>
    %squeeze3A_122 = vector.extract %slice3A_121[0] : f32 from vector<1xf32>
    %add3A_123 = arith.addf %add3A_120, %squeeze3A_122 : f32
    %slice3A_124 = vector.extract_strided_slice %add3A_79 {offsets = [10], sizes = [1], strides = [1]} : vector<16xf32> to vector<1xf32>
    %squeeze3A_125 = vector.extract %slice3A_124[0] : f32 from vector<1xf32>
    %add3A_126 = arith.addf %add3A_123, %squeeze3A_125 : f32
    %slice3A_127 = vector.extract_strided_slice %add3A_79 {offsets = [11], sizes = [1], strides = [1]} : vector<16xf32> to vector<1xf32>
    %squeeze3A_128 = vector.extract %slice3A_127[0] : f32 from vector<1xf32>
    %add3A_129 = arith.addf %add3A_126, %squeeze3A_128 : f32
    %slice3A_130 = vector.extract_strided_slice %add3A_79 {offsets = [12], sizes = [1], strides = [1]} : vector<16xf32> to vector<1xf32>
    %squeeze3A_131 = vector.extract %slice3A_130[0] : f32 from vector<1xf32>
    %add3A_132 = arith.addf %add3A_129, %squeeze3A_131 : f32
    %slice3A_133 = vector.extract_strided_slice %add3A_79 {offsets = [13], sizes = [1], strides = [1]} : vector<16xf32> to vector<1xf32>
    %squeeze3A_134 = vector.extract %slice3A_133[0] : f32 from vector<1xf32>
    %add3A_135 = arith.addf %add3A_132, %squeeze3A_134 : f32
    %slice3A_136 = vector.extract_strided_slice %add3A_79 {offsets = [14], sizes = [1], strides = [1]} : vector<16xf32> to vector<1xf32>
    %squeeze3A_137 = vector.extract %slice3A_136[0] : f32 from vector<1xf32>
    %add3A_138 = arith.addf %add3A_135, %squeeze3A_137 : f32
    %slice3A_139 = vector.extract_strided_slice %add3A_79 {offsets = [15], sizes = [1], strides = [1]} : vector<16xf32> to vector<1xf32>
    %squeeze3A_140 = vector.extract %slice3A_139[0] : f32 from vector<1xf32>
    %add3A_141 = arith.addf %add3A_138, %squeeze3A_140 : f32
    %mul3A_142 = arith.constant 2.44140625E-4 : f32
    %mul3A_143 = arith.mulf %add3A_141, %mul3A_142 : f32
    %add3A_144 = arith.constant 9.99999997E-7 : f32
    %add3A_145 = arith.addf %mul3A_143, %add3A_144 : f32
    %broadcast_in_dim3A_146 = vector.broadcast %add3A_145 : f32 to vector<16xf32>
    %bitcast_convert_type3A = tpu.bitcast %broadcast_in_dim3A_146 : vector<16xf32> -> vector<16xi32>
    %shift_right_arithmetic3A = arith.constant 1 : i32
    %shift_right_arithmetic3A_147 = vector.broadcast %shift_right_arithmetic3A : i32 to vector<16xi32>
    %shift_right_arithmetic3A_148 = arith.shrsi %bitcast_convert_type3A, %shift_right_arithmetic3A_147 : vector<16xi32>
    %sub3A = arith.constant 1597463007 : i32
    %sub3A_149 = vector.broadcast %sub3A : i32 to vector<16xi32>
    %sub3A_150 = arith.subi %sub3A_149, %shift_right_arithmetic3A_148 : vector<16xi32>
    %bitcast_convert_type3A_151 = tpu.bitcast %sub3A_150 : vector<16xi32> -> vector<16xf32>
    %mul3A_152 = arith.constant 5.000000e-01 : f32
    %mul3A_153 = vector.broadcast %mul3A_152 : f32 to vector<16xf32>
    %mul3A_154 = arith.mulf %mul3A_153, %broadcast_in_dim3A_146 : vector<16xf32>
    %mul3A_155 = arith.mulf %mul3A_154, %bitcast_convert_type3A_151 : vector<16xf32>
    %mul3A_156 = arith.mulf %mul3A_155, %bitcast_convert_type3A_151 : vector<16xf32>
    %sub3A_157 = arith.constant 1.500000e+00 : f32
    %sub3A_158 = vector.broadcast %sub3A_157 : f32 to vector<16xf32>
    %sub3A_159 = arith.subf %sub3A_158, %mul3A_156 : vector<16xf32>
    %mul3A_160 = arith.mulf %bitcast_convert_type3A_151, %sub3A_159 : vector<16xf32>
    %mul3A_161 = arith.constant 5.000000e-01 : f32
    %mul3A_162 = vector.broadcast %mul3A_161 : f32 to vector<16xf32>
    %mul3A_163 = arith.mulf %mul3A_162, %broadcast_in_dim3A_146 : vector<16xf32>
    %mul3A_164 = arith.mulf %mul3A_163, %mul3A_160 : vector<16xf32>
    %mul3A_165 = arith.mulf %mul3A_164, %mul3A_160 : vector<16xf32>
    %sub3A_166 = arith.constant 1.500000e+00 : f32
    %sub3A_167 = vector.broadcast %sub3A_166 : f32 to vector<16xf32>
    %sub3A_168 = arith.subf %sub3A_167, %mul3A_165 : vector<16xf32>
    %mul3A_169 = arith.mulf %mul3A_160, %sub3A_168 : vector<16xf32>
    %mul3A_170 = arith.constant 5.000000e-01 : f32
    %mul3A_171 = vector.broadcast %mul3A_170 : f32 to vector<16xf32>
    %mul3A_172 = arith.mulf %mul3A_171, %broadcast_in_dim3A_146 : vector<16xf32>
    %mul3A_173 = arith.mulf %mul3A_172, %mul3A_169 : vector<16xf32>
    %mul3A_174 = arith.mulf %mul3A_173, %mul3A_169 : vector<16xf32>
    %sub3A_175 = arith.constant 1.500000e+00 : f32
    %sub3A_176 = vector.broadcast %sub3A_175 : f32 to vector<16xf32>
    %sub3A_177 = arith.subf %sub3A_176, %mul3A_174 : vector<16xf32>
    %mul3A_178 = arith.mulf %mul3A_169, %sub3A_177 : vector<16xf32>
    %parallel_loop3A_179 = arith.constant 0 : i32
    %parallel_loop3A_180 = arith.constant 256 : i32
    %parallel_loop3A_181 = arith.constant 2 : i32
    scf.for %parallel_loop3A_223 = %parallel_loop3A_179 to %parallel_loop3A_180 step %parallel_loop3A_181  : i32 {
      %parallel_loop3A_224 = arith.constant 0 : i32
      %parallel_loop3A_225 = arith.addi %parallel_loop3A_223, %parallel_loop3A_224 : i32
      %parallel_loop3A_226 = arith.constant 16 : i32
      %parallel_loop3A_227 = arith.muli %parallel_loop3A_225, %parallel_loop3A_226 : i32
      %parallel_loop3A_228 = arith.constant 0 : i32
      %parallel_loop3A_229 = arith.constant 0 : i32
      %parallel_loop3A_230 = arith.index_cast %parallel_loop3A_228 : i32 to index
      %parallel_loop3A_231 = arith.index_cast %parallel_loop3A_229 : i32 to index
      %parallel_loop3A_232 = arith.index_cast %parallel_loop3A_227 : i32 to index
      %parallel_loop3A_233 = tpu.vector_load %arg16[%parallel_loop3A_230, %parallel_loop3A_231, %parallel_loop3A_232] {strides = array<i32>} : memref<2x1x4096xf32, #tpu.memory_space<vmem>>, vector<1x1x16xf32>,
      %parallel_loop3A_234 = vector.shape_cast %parallel_loop3A_233 : vector<1x1x16xf32> to vector<16xf32>
      %parallel_loop3A_235 = arith.mulf %parallel_loop3A_234, %mul3A_178 : vector<16xf32>
      %parallel_loop3A_236 = arith.index_cast %parallel_loop3A_227 : i32 to index
      %parallel_loop3A_237 = tpu.vector_load %arg15[%parallel_loop3A_236] {strides = array<i32>} : memref<4096xf32, #tpu.memory_space<vmem>>, vector<16xf32>,
      %parallel_loop3A_238 = vector.shape_cast %parallel_loop3A_237 : vector<16xf32> to vector<16xf32>
      %parallel_loop3A_239 = arith.mulf %parallel_loop3A_235, %parallel_loop3A_238 : vector<16xf32>
      %parallel_loop3A_240 = arith.constant 0 : i32
      %parallel_loop3A_241 = arith.constant 0 : i32
      %parallel_loop3A_242 = arith.index_cast %parallel_loop3A_240 : i32 to index
      %parallel_loop3A_243 = arith.index_cast %parallel_loop3A_241 : i32 to index
      %parallel_loop3A_244 = arith.index_cast %parallel_loop3A_227 : i32 to index
      %parallel_loop3A_245 = tpu.vector_load %arg17[%parallel_loop3A_242, %parallel_loop3A_243, %parallel_loop3A_244] {strides = array<i32>} : memref<2x1x4096xf32, #tpu.memory_space<vmem>>, vector<1x1x16xf32>,
      %parallel_loop3A_246 = vector.shape_cast %parallel_loop3A_245 : vector<1x1x16xf32> to vector<16xf32>
      %parallel_loop3A_247 = vector.shape_cast %parallel_loop3A_239 : vector<16xf32> to vector<1x1x16xf32>
      tpu.vector_store %arg17[%parallel_loop3A_242, %parallel_loop3A_243, %parallel_loop3A_244], %parallel_loop3A_247 {strides = array<i32>} : memref<2x1x4096xf32, #tpu.memory_space<vmem>>, vector<1x1x16xf32>,
      %parallel_loop3A_248 = arith.constant 1 : i32
      %parallel_loop3A_249 = arith.addi %parallel_loop3A_223, %parallel_loop3A_248 : i32
      %parallel_loop3A_250 = arith.constant 16 : i32
      %parallel_loop3A_251 = arith.muli %parallel_loop3A_249, %parallel_loop3A_250 : i32
      %parallel_loop3A_252 = arith.constant 0 : i32
      %parallel_loop3A_253 = arith.constant 0 : i32
      %parallel_loop3A_254 = arith.index_cast %parallel_loop3A_252 : i32 to index
      %parallel_loop3A_255 = arith.index_cast %parallel_loop3A_253 : i32 to index
      %parallel_loop3A_256 = arith.index_cast %parallel_loop3A_251 : i32 to index
      %parallel_loop3A_257 = tpu.vector_load %arg16[%parallel_loop3A_254, %parallel_loop3A_255, %parallel_loop3A_256] {strides = array<i32>} : memref<2x1x4096xf32, #tpu.memory_space<vmem>>, vector<1x1x16xf32>,
      %parallel_loop3A_258 = vector.shape_cast %parallel_loop3A_257 : vector<1x1x16xf32> to vector<16xf32>
      %parallel_loop3A_259 = arith.mulf %parallel_loop3A_258, %mul3A_178 : vector<16xf32>
      %parallel_loop3A_260 = arith.index_cast %parallel_loop3A_251 : i32 to index
      %parallel_loop3A_261 = tpu.vector_load %arg15[%parallel_loop3A_260] {strides = array<i32>} : memref<4096xf32, #tpu.memory_space<vmem>>, vector<16xf32>,
      %parallel_loop3A_262 = vector.shape_cast %parallel_loop3A_261 : vector<16xf32> to vector<16xf32>
      %parallel_loop3A_263 = arith.mulf %parallel_loop3A_259, %parallel_loop3A_262 : vector<16xf32>
      %parallel_loop3A_264 = arith.constant 0 : i32
      %parallel_loop3A_265 = arith.constant 0 : i32
      %parallel_loop3A_266 = arith.index_cast %parallel_loop3A_264 : i32 to index
      %parallel_loop3A_267 = arith.index_cast %parallel_loop3A_265 : i32 to index
      %parallel_loop3A_268 = arith.index_cast %parallel_loop3A_251 : i32 to index
      %parallel_loop3A_269 = tpu.vector_load %arg17[%parallel_loop3A_266, %parallel_loop3A_267, %parallel_loop3A_268] {strides = array<i32>} : memref<2x1x4096xf32, #tpu.memory_space<vmem>>, vector<1x1x16xf32>,
      %parallel_loop3A_270 = vector.shape_cast %parallel_loop3A_269 : vector<1x1x16xf32> to vector<16xf32>
      %parallel_loop3A_271 = vector.shape_cast %parallel_loop3A_263 : vector<16xf32> to vector<1x1x16xf32>
      tpu.vector_store %arg17[%parallel_loop3A_266, %parallel_loop3A_267, %parallel_loop3A_268], %parallel_loop3A_271 {strides = array<i32>} : memref<2x1x4096xf32, #tpu.memory_space<vmem>>, vector<1x1x16xf32>,
    } {sc.loop_unroll_factor = 1 : i64, sc.parallel_access}
    %add3A_182 = arith.constant 0 : i32
    %add3A_183 = arith.addi %mul3A_2, %add3A_182 : i32
    %dma_start3A_184 = arith.constant 0 : i32
    %dma_start3A_185 = arith.constant 0 : i32
    %dma_start3A_186 = arith.constant 0 : i32
    %dma_start3A_187 = tpu.memref_slice %arg17[%dma_start3A_184, %dma_start3A_185, %dma_start3A_186] : memref<2x1x4096xf32, #tpu.memory_space<vmem>> -> memref<1x1x4096xf32, #tpu.memory_space<vmem>>
    %dma_start3A_188 = tpu.memref_squeeze %dma_start3A_187 : memref<1x1x4096xf32, #tpu.memory_space<vmem>> -> memref<1x4096xf32, #tpu.memory_space<vmem>>
    %dma_start3A_189 = arith.constant 0 : i32
    %dma_start3A_190 = tpu.memref_slice %arg8[%add3A_183, %dma_start3A_189] : memref<32x4096xf32, #tpu.memory_space<hbm>> -> memref<1x4096xf32, #tpu.memory_space<hbm>>
    %dma_start3A_191 = arith.constant 0 : i32
    %dma_start3A_192 = tpu.memref_slice %arg8[%add3A_183, %dma_start3A_191] : memref<32x4096xf32, #tpu.memory_space<hbm>> -> memref<1x4096xf32, #tpu.memory_space<hbm>>
    %dma_start3A_193 = arith.constant 0 : i32
    %dma_start3A_194 = arith.constant 0 : i32
    %dma_start3A_195 = tpu.memref_slice %arg17[%dma_start3A_184, %dma_start3A_193, %dma_start3A_194] : memref<2x1x4096xf32, #tpu.memory_space<vmem>> -> memref<1x1x4096xf32, #tpu.memory_space<vmem>>
    %dma_start3A_196 = tpu.memref_squeeze %dma_start3A_195 : memref<1x1x4096xf32, #tpu.memory_space<vmem>> -> memref<1x4096xf32, #tpu.memory_space<vmem>>
    tpu.enqueue_dma source(%dma_start3A_196 : memref<1x4096xf32, #tpu.memory_space<vmem>>) target(%dma_start3A_192 : memref<1x4096xf32, #tpu.memory_space<hbm>>) target_semaphore(%arg23 : memref<!tpu.dma_semaphore, #tpu.memory_space<semaphore_mem>>)
    %dma_wait3A_197 = arith.constant 0 : i32
    %dma_wait3A_198 = arith.constant 0 : i32
    %dma_wait3A_199 = arith.constant 0 : i32
    %dma_wait3A_200 = tpu.memref_slice %arg16[%dma_wait3A_197, %dma_wait3A_198, %dma_wait3A_199] : memref<2x1x4096xf32, #tpu.memory_space<vmem>> -> memref<1x1x4096xf32, #tpu.memory_space<vmem>>
    %dma_wait3A_201 = tpu.memref_squeeze %dma_wait3A_200 : memref<1x1x4096xf32, #tpu.memory_space<vmem>> -> memref<1x4096xf32, #tpu.memory_space<vmem>>
    %dma_wait3A_202 = arith.constant 0 : i32
    %dma_wait3A_203 = tpu.memref_slice %arg9[%add3A_81, %dma_wait3A_202] : memref<32x4096xf32, #tpu.memory_space<hbm>> -> memref<1x4096xf32, #tpu.memory_space<hbm>>
    %dma_wait3A_204 = arith.constant 0 : i32
    %dma_wait3A_205 = tpu.memref_slice %arg9[%add3A_81, %dma_wait3A_204] : memref<32x4096xf32, #tpu.memory_space<hbm>> -> memref<1x4096xf32, #tpu.memory_space<hbm>>
    %dma_wait3A_206 = arith.constant 0 : i32
    %dma_wait3A_207 = arith.constant 0 : i32
    %dma_wait3A_208 = tpu.memref_slice %arg16[%dma_wait3A_197, %dma_wait3A_206, %dma_wait3A_207] : memref<2x1x4096xf32, #tpu.memory_space<vmem>> -> memref<1x1x4096xf32, #tpu.memory_space<vmem>>
    %dma_wait3A_209 = tpu.memref_squeeze %dma_wait3A_208 : memref<1x1x4096xf32, #tpu.memory_space<vmem>> -> memref<1x4096xf32, #tpu.memory_space<vmem>>
    tpu.wait_dma2 semaphore(%arg21 : memref<!tpu.dma_semaphore, #tpu.memory_space<semaphore_mem>>) src(%dma_wait3A_209 : memref<1x4096xf32, #tpu.memory_space<vmem>>) dst(%dma_wait3A_205 : memref<1x4096xf32, #tpu.memory_space<hbm>>)
    %dma_wait3A_210 = arith.constant 0 : i32
    %dma_wait3A_211 = arith.constant 0 : i32
    %dma_wait3A_212 = arith.constant 0 : i32
    %dma_wait3A_213 = tpu.memref_slice %arg17[%dma_wait3A_210, %dma_wait3A_211, %dma_wait3A_212] : memref<2x1x4096xf32, #tpu.memory_space<vmem>> -> memref<1x1x4096xf32, #tpu.memory_space<vmem>>
    %dma_wait3A_214 = tpu.memref_squeeze %dma_wait3A_213 : memref<1x1x4096xf32, #tpu.memory_space<vmem>> -> memref<1x4096xf32, #tpu.memory_space<vmem>>
    %dma_wait3A_215 = arith.constant 0 : i32
    %dma_wait3A_216 = tpu.memref_slice %arg8[%add3A_183, %dma_wait3A_215] : memref<32x4096xf32, #tpu.memory_space<hbm>> -> memref<1x4096xf32, #tpu.memory_space<hbm>>
    %dma_wait3A_217 = arith.constant 0 : i32
    %dma_wait3A_218 = tpu.memref_slice %arg8[%add3A_183, %dma_wait3A_217] : memref<32x4096xf32, #tpu.memory_space<hbm>> -> memref<1x4096xf32, #tpu.memory_space<hbm>>
    %dma_wait3A_219 = arith.constant 0 : i32
    %dma_wait3A_220 = arith.constant 0 : i32
    %dma_wait3A_221 = tpu.memref_slice %arg17[%dma_wait3A_210, %dma_wait3A_219, %dma_wait3A_220] : memref<2x1x4096xf32, #tpu.memory_space<vmem>> -> memref<1x1x4096xf32, #tpu.memory_space<vmem>>
    %dma_wait3A_222 = tpu.memref_squeeze %dma_wait3A_221 : memref<1x1x4096xf32, #tpu.memory_space<vmem>> -> memref<1x4096xf32, #tpu.memory_space<vmem>>
    tpu.wait_dma2 semaphore(%arg23 : memref<!tpu.dma_semaphore, #tpu.memory_space<semaphore_mem>>) src(%dma_wait3A_222 : memref<1x4096xf32, #tpu.memory_space<vmem>>) dst(%dma_wait3A_218 : memref<1x4096xf32, #tpu.memory_space<hbm>>)
    return
  }
}

module attributes {stable_mosaic.version = 14 : i64} {
  func.func @_tc_body(%arg0: i32, %arg1: memref<96x8xi32, #tpu.memory_space<vmem>>, %arg2: memref<96x8xf32, #tpu.memory_space<vmem>>, %arg3: memref<256x2048xf32, #tpu.memory_space<vmem>>, %arg4: memref<256x2048xf32, #tpu.memory_space<vmem>>, %arg5: memref<96x4096xf32, #tpu.memory_space<vmem>>, %arg6: memref<96x4096xf32, #tpu.memory_space<vmem>>, %arg7: memref<1x4096xf32, #tpu.memory_space<vmem>>, %arg8: memref<96x4096xf32, #tpu.memory_space<vmem>>, %arg9: memref<96x4096xf32, #tpu.memory_space<vmem>>, %arg10: memref<96x4096xf32, #tpu.memory_space<vmem>>) attributes {dimension_semantics = [#tpu.dimension_semantics<arbitrary>], iteration_bounds = array<i64: 4>, scalar_prefetch = 0 : i64, scratch_operands = 1 : i64, tpu.core_type = #tpu.core_type<tc>, window_params = [{transform_indices = @transform_0, window_bounds = array<i64: 96, 8>}, {transform_indices = @transform_1, window_bounds = array<i64: 96, 8>}, {transform_indices = @transform_2, window_bounds = array<i64: 256, 2048>}, {transform_indices = @transform_3, window_bounds = array<i64: 256, 2048>}, {transform_indices = @transform_4, window_bounds = array<i64: 96, 4096>}, {transform_indices = @transform_5, window_bounds = array<i64: 96, 4096>}, {pipeline_mode = #tpu.pipeline_mode<synchronous>, transform_indices = @transform_6, window_bounds = array<i64: 1, 4096>}, {transform_indices = @transform_7, window_bounds = array<i64: 96, 4096>}, {transform_indices = @transform_8, window_bounds = array<i64: 96, 4096>}]} {
    %mul3A = arith.constant 256 : i32
    %mul3A_0 = arith.muli %arg0, %mul3A : i32
    %iota3A = tpu.iota {dimensions = array<i32: 1>} : vector<96x256xi32>
    %add3A = vector.broadcast %mul3A_0 : i32 to vector<96x256xi32>
    %add3A_1 = arith.addi %add3A, %iota3A : vector<96x256xi32>
    %broadcast_in_dim3A = arith.constant 0.000000e+00 : f32
    %broadcast_in_dim3A_2 = vector.broadcast %broadcast_in_dim3A : f32 to vector<96x256xf32>
    %get3A = arith.constant 0 : index
    %get3A_3 = arith.constant 0 : index
    %get3A_4 = vector.load %arg1[%get3A, %get3A_3] : memref<96x8xi32, #tpu.memory_space<vmem>>, vector<96x1xi32>
    %get3A_5 = arith.constant 0 : index
    %get3A_6 = arith.constant 0 : index
    %get3A_7 = vector.load %arg2[%get3A_5, %get3A_6] : memref<96x8xf32, #tpu.memory_space<vmem>>, vector<96x1xf32>
    %eq3A = vector.broadcast %get3A_4 : vector<96x1xi32> to vector<96x256xi32>
    %eq3A_8 = arith.cmpi eq, %add3A_1, %eq3A : vector<96x256xi32>
    %jit3A = arith.constant 0.000000e+00 : f32
    %broadcast_in_dim3A_9 = vector.shape_cast %get3A_7 : vector<96x1xf32> to vector<96x1xf32>
    %broadcast_in_dim3A_10 = vector.broadcast %broadcast_in_dim3A_9 : vector<96x1xf32> to vector<96x256xf32>
    %broadcast_in_dim3A_11 = vector.broadcast %jit3A : f32 to vector<96x256xf32>
    %select_n3A = arith.select %eq3A_8, %broadcast_in_dim3A_10, %broadcast_in_dim3A_11 : vector<96x256xi1>, vector<96x256xf32>
    %add3A_12 = arith.addf %broadcast_in_dim3A_2, %select_n3A : vector<96x256xf32>
    %get3A_13 = arith.constant 0 : index
    %get3A_14 = arith.constant 1 : index
    %get3A_15 = vector.load %arg1[%get3A_13, %get3A_14] : memref<96x8xi32, #tpu.memory_space<vmem>>, vector<96x1xi32>
    %get3A_16 = arith.constant 0 : index
    %get3A_17 = arith.constant 1 : index
    %get3A_18 = vector.load %arg2[%get3A_16, %get3A_17] : memref<96x8xf32, #tpu.memory_space<vmem>>, vector<96x1xf32>
    %eq3A_19 = vector.broadcast %get3A_15 : vector<96x1xi32> to vector<96x256xi32>
    %eq3A_20 = arith.cmpi eq, %add3A_1, %eq3A_19 : vector<96x256xi32>
    %jit3A_21 = arith.constant 0.000000e+00 : f32
    %broadcast_in_dim3A_22 = vector.shape_cast %get3A_18 : vector<96x1xf32> to vector<96x1xf32>
    %broadcast_in_dim3A_23 = vector.broadcast %broadcast_in_dim3A_22 : vector<96x1xf32> to vector<96x256xf32>
    %broadcast_in_dim3A_24 = vector.broadcast %jit3A_21 : f32 to vector<96x256xf32>
    %select_n3A_25 = arith.select %eq3A_20, %broadcast_in_dim3A_23, %broadcast_in_dim3A_24 : vector<96x256xi1>, vector<96x256xf32>
    %add3A_26 = arith.addf %add3A_12, %select_n3A_25 : vector<96x256xf32>
    %get3A_27 = arith.constant 0 : index
    %get3A_28 = arith.constant 2 : index
    %get3A_29 = vector.load %arg1[%get3A_27, %get3A_28] : memref<96x8xi32, #tpu.memory_space<vmem>>, vector<96x1xi32>
    %get3A_30 = arith.constant 0 : index
    %get3A_31 = arith.constant 2 : index
    %get3A_32 = vector.load %arg2[%get3A_30, %get3A_31] : memref<96x8xf32, #tpu.memory_space<vmem>>, vector<96x1xf32>
    %eq3A_33 = vector.broadcast %get3A_29 : vector<96x1xi32> to vector<96x256xi32>
    %eq3A_34 = arith.cmpi eq, %add3A_1, %eq3A_33 : vector<96x256xi32>
    %jit3A_35 = arith.constant 0.000000e+00 : f32
    %broadcast_in_dim3A_36 = vector.shape_cast %get3A_32 : vector<96x1xf32> to vector<96x1xf32>
    %broadcast_in_dim3A_37 = vector.broadcast %broadcast_in_dim3A_36 : vector<96x1xf32> to vector<96x256xf32>
    %broadcast_in_dim3A_38 = vector.broadcast %jit3A_35 : f32 to vector<96x256xf32>
    %select_n3A_39 = arith.select %eq3A_34, %broadcast_in_dim3A_37, %broadcast_in_dim3A_38 : vector<96x256xi1>, vector<96x256xf32>
    %add3A_40 = arith.addf %add3A_26, %select_n3A_39 : vector<96x256xf32>
    %get3A_41 = arith.constant 0 : index
    %get3A_42 = arith.constant 3 : index
    %get3A_43 = vector.load %arg1[%get3A_41, %get3A_42] : memref<96x8xi32, #tpu.memory_space<vmem>>, vector<96x1xi32>
    %get3A_44 = arith.constant 0 : index
    %get3A_45 = arith.constant 3 : index
    %get3A_46 = vector.load %arg2[%get3A_44, %get3A_45] : memref<96x8xf32, #tpu.memory_space<vmem>>, vector<96x1xf32>
    %eq3A_47 = vector.broadcast %get3A_43 : vector<96x1xi32> to vector<96x256xi32>
    %eq3A_48 = arith.cmpi eq, %add3A_1, %eq3A_47 : vector<96x256xi32>
    %jit3A_49 = arith.constant 0.000000e+00 : f32
    %broadcast_in_dim3A_50 = vector.shape_cast %get3A_46 : vector<96x1xf32> to vector<96x1xf32>
    %broadcast_in_dim3A_51 = vector.broadcast %broadcast_in_dim3A_50 : vector<96x1xf32> to vector<96x256xf32>
    %broadcast_in_dim3A_52 = vector.broadcast %jit3A_49 : f32 to vector<96x256xf32>
    %select_n3A_53 = arith.select %eq3A_48, %broadcast_in_dim3A_51, %broadcast_in_dim3A_52 : vector<96x256xi1>, vector<96x256xf32>
    %add3A_54 = arith.addf %add3A_40, %select_n3A_53 : vector<96x256xf32>
    %get3A_55 = arith.constant 0 : index
    %get3A_56 = arith.constant 4 : index
    %get3A_57 = vector.load %arg1[%get3A_55, %get3A_56] : memref<96x8xi32, #tpu.memory_space<vmem>>, vector<96x1xi32>
    %get3A_58 = arith.constant 0 : index
    %get3A_59 = arith.constant 4 : index
    %get3A_60 = vector.load %arg2[%get3A_58, %get3A_59] : memref<96x8xf32, #tpu.memory_space<vmem>>, vector<96x1xf32>
    %eq3A_61 = vector.broadcast %get3A_57 : vector<96x1xi32> to vector<96x256xi32>
    %eq3A_62 = arith.cmpi eq, %add3A_1, %eq3A_61 : vector<96x256xi32>
    %jit3A_63 = arith.constant 0.000000e+00 : f32
    %broadcast_in_dim3A_64 = vector.shape_cast %get3A_60 : vector<96x1xf32> to vector<96x1xf32>
    %broadcast_in_dim3A_65 = vector.broadcast %broadcast_in_dim3A_64 : vector<96x1xf32> to vector<96x256xf32>
    %broadcast_in_dim3A_66 = vector.broadcast %jit3A_63 : f32 to vector<96x256xf32>
    %select_n3A_67 = arith.select %eq3A_62, %broadcast_in_dim3A_65, %broadcast_in_dim3A_66 : vector<96x256xi1>, vector<96x256xf32>
    %add3A_68 = arith.addf %add3A_54, %select_n3A_67 : vector<96x256xf32>
    %get3A_69 = arith.constant 0 : index
    %get3A_70 = arith.constant 5 : index
    %get3A_71 = vector.load %arg1[%get3A_69, %get3A_70] : memref<96x8xi32, #tpu.memory_space<vmem>>, vector<96x1xi32>
    %get3A_72 = arith.constant 0 : index
    %get3A_73 = arith.constant 5 : index
    %get3A_74 = vector.load %arg2[%get3A_72, %get3A_73] : memref<96x8xf32, #tpu.memory_space<vmem>>, vector<96x1xf32>
    %eq3A_75 = vector.broadcast %get3A_71 : vector<96x1xi32> to vector<96x256xi32>
    %eq3A_76 = arith.cmpi eq, %add3A_1, %eq3A_75 : vector<96x256xi32>
    %jit3A_77 = arith.constant 0.000000e+00 : f32
    %broadcast_in_dim3A_78 = vector.shape_cast %get3A_74 : vector<96x1xf32> to vector<96x1xf32>
    %broadcast_in_dim3A_79 = vector.broadcast %broadcast_in_dim3A_78 : vector<96x1xf32> to vector<96x256xf32>
    %broadcast_in_dim3A_80 = vector.broadcast %jit3A_77 : f32 to vector<96x256xf32>
    %select_n3A_81 = arith.select %eq3A_76, %broadcast_in_dim3A_79, %broadcast_in_dim3A_80 : vector<96x256xi1>, vector<96x256xf32>
    %add3A_82 = arith.addf %add3A_68, %select_n3A_81 : vector<96x256xf32>
    %get3A_83 = arith.constant 0 : index
    %get3A_84 = arith.constant 6 : index
    %get3A_85 = vector.load %arg1[%get3A_83, %get3A_84] : memref<96x8xi32, #tpu.memory_space<vmem>>, vector<96x1xi32>
    %get3A_86 = arith.constant 0 : index
    %get3A_87 = arith.constant 6 : index
    %get3A_88 = vector.load %arg2[%get3A_86, %get3A_87] : memref<96x8xf32, #tpu.memory_space<vmem>>, vector<96x1xf32>
    %eq3A_89 = vector.broadcast %get3A_85 : vector<96x1xi32> to vector<96x256xi32>
    %eq3A_90 = arith.cmpi eq, %add3A_1, %eq3A_89 : vector<96x256xi32>
    %jit3A_91 = arith.constant 0.000000e+00 : f32
    %broadcast_in_dim3A_92 = vector.shape_cast %get3A_88 : vector<96x1xf32> to vector<96x1xf32>
    %broadcast_in_dim3A_93 = vector.broadcast %broadcast_in_dim3A_92 : vector<96x1xf32> to vector<96x256xf32>
    %broadcast_in_dim3A_94 = vector.broadcast %jit3A_91 : f32 to vector<96x256xf32>
    %select_n3A_95 = arith.select %eq3A_90, %broadcast_in_dim3A_93, %broadcast_in_dim3A_94 : vector<96x256xi1>, vector<96x256xf32>
    %add3A_96 = arith.addf %add3A_82, %select_n3A_95 : vector<96x256xf32>
    %get3A_97 = arith.constant 0 : index
    %get3A_98 = arith.constant 7 : index
    %get3A_99 = vector.load %arg1[%get3A_97, %get3A_98] : memref<96x8xi32, #tpu.memory_space<vmem>>, vector<96x1xi32>
    %get3A_100 = arith.constant 0 : index
    %get3A_101 = arith.constant 7 : index
    %get3A_102 = vector.load %arg2[%get3A_100, %get3A_101] : memref<96x8xf32, #tpu.memory_space<vmem>>, vector<96x1xf32>
    %eq3A_103 = vector.broadcast %get3A_99 : vector<96x1xi32> to vector<96x256xi32>
    %eq3A_104 = arith.cmpi eq, %add3A_1, %eq3A_103 : vector<96x256xi32>
    %jit3A_105 = arith.constant 0.000000e+00 : f32
    %broadcast_in_dim3A_106 = vector.shape_cast %get3A_102 : vector<96x1xf32> to vector<96x1xf32>
    %broadcast_in_dim3A_107 = vector.broadcast %broadcast_in_dim3A_106 : vector<96x1xf32> to vector<96x256xf32>
    %broadcast_in_dim3A_108 = vector.broadcast %jit3A_105 : f32 to vector<96x256xf32>
    %select_n3A_109 = arith.select %eq3A_104, %broadcast_in_dim3A_107, %broadcast_in_dim3A_108 : vector<96x256xi1>, vector<96x256xf32>
    %add3A_110 = arith.addf %add3A_96, %select_n3A_109 : vector<96x256xf32>
    %get3A_111 = arith.constant 0 : index
    %get3A_112 = arith.constant 0 : index
    %get3A_113 = vector.load %arg3[%get3A_111, %get3A_112] : memref<256x2048xf32, #tpu.memory_space<vmem>>, vector<256x2048xf32>
    %dot_general3A = arith.constant dense<0.000000e+00> : vector<96x2048xf32>
    %dot_general3A_114 = tpu.matmul %add3A_110, %get3A_113, %dot_general3A {dimension_numbers = #tpu.dot_dimension_numbers<[1], [0], [0], [1], [0, 0, 1, 1], [], []>, transpose_lhs_hint = false} : vector<96x256xf32>, vector<256x2048xf32>, vector<96x2048xf32> -> vector<96x2048xf32>
    %get3A_115 = arith.constant 0 : index
    %get3A_116 = arith.constant 0 : index
    %get3A_117 = vector.load %arg4[%get3A_115, %get3A_116] : memref<256x2048xf32, #tpu.memory_space<vmem>>, vector<256x2048xf32>
    %dot_general3A_118 = arith.constant dense<0.000000e+00> : vector<96x2048xf32>
    %dot_general3A_119 = tpu.matmul %add3A_110, %get3A_117, %dot_general3A_118 {dimension_numbers = #tpu.dot_dimension_numbers<[1], [0], [0], [1], [0, 0, 1, 1], [], []>, transpose_lhs_hint = false} : vector<96x256xf32>, vector<256x2048xf32>, vector<96x2048xf32> -> vector<96x2048xf32>
    %concatenate3A = tpu.concatenate %dot_general3A_114, %dot_general3A_119 in 1 : vector<96x2048xf32>, vector<96x2048xf32> -> vector<96x4096xf32>
    %eq3A_120 = arith.constant 0 : i32
    %eq3A_121 = arith.cmpi eq, %arg0, %eq3A_120 : i32
    %convert_element_type3A = arith.extui %eq3A_121 : i1 to i32
    %cond3A = arith.constant 0 : i32
    %cond3A_122 = arith.cmpi ne, %convert_element_type3A, %cond3A : i32
    scf.if %cond3A_122 {
      %swap3A = arith.constant 0 : index
      %swap3A_132 = arith.constant 0 : index
      %swap3A_133 = vector.load %arg10[%swap3A, %swap3A_132] : memref<96x4096xf32, #tpu.memory_space<vmem>>, vector<96x4096xf32>
      tpu.vector_store %arg10[%swap3A, %swap3A_132], %concatenate3A {strides = array<i32>} : memref<96x4096xf32, #tpu.memory_space<vmem>>, vector<96x4096xf32>,
    } else {
    }
    %gt3A = arith.constant 0 : i32
    %gt3A_123 = arith.cmpi sgt, %arg0, %gt3A : i32
    %convert_element_type3A_124 = arith.extui %gt3A_123 : i1 to i32
    %cond3A_125 = arith.constant 0 : i32
    %cond3A_126 = arith.cmpi ne, %convert_element_type3A_124, %cond3A_125 : i32
    scf.if %cond3A_126 {
      %get3A_132 = arith.constant 0 : index
      %get3A_133 = arith.constant 0 : index
      %get3A_134 = vector.load %arg10[%get3A_132, %get3A_133] : memref<96x4096xf32, #tpu.memory_space<vmem>>, vector<96x4096xf32>
      %add3A_135 = arith.addf %get3A_134, %concatenate3A : vector<96x4096xf32>
      %swap3A = arith.constant 0 : index
      %swap3A_136 = arith.constant 0 : index
      %swap3A_137 = vector.load %arg10[%swap3A, %swap3A_136] : memref<96x4096xf32, #tpu.memory_space<vmem>>, vector<96x4096xf32>
      tpu.vector_store %arg10[%swap3A, %swap3A_136], %add3A_135 {strides = array<i32>} : memref<96x4096xf32, #tpu.memory_space<vmem>>, vector<96x4096xf32>,
    } else {
    }
    %eq3A_127 = arith.constant 3 : i32
    %eq3A_128 = arith.cmpi eq, %arg0, %eq3A_127 : i32
    %convert_element_type3A_129 = arith.extui %eq3A_128 : i1 to i32
    %cond3A_130 = arith.constant 0 : i32
    %cond3A_131 = arith.cmpi ne, %convert_element_type3A_129, %cond3A_130 : i32
    scf.if %cond3A_131 {
      %get3A_132 = arith.constant 0 : index
      %get3A_133 = arith.constant 0 : index
      %get3A_134 = vector.load %arg10[%get3A_132, %get3A_133] : memref<96x4096xf32, #tpu.memory_space<vmem>>, vector<96x4096xf32>
      %get3A_135 = arith.constant 0 : index
      %get3A_136 = arith.constant 0 : index
      %get3A_137 = vector.load %arg5[%get3A_135, %get3A_136] : memref<96x4096xf32, #tpu.memory_space<vmem>>, vector<96x4096xf32>
      %add3A_138 = arith.addf %get3A_134, %get3A_137 : vector<96x4096xf32>
      %get3A_139 = arith.constant 0 : index
      %get3A_140 = arith.constant 0 : index
      %get3A_141 = vector.load %arg6[%get3A_139, %get3A_140] : memref<96x4096xf32, #tpu.memory_space<vmem>>, vector<96x4096xf32>
      %add3A_142 = arith.addf %add3A_138, %get3A_141 : vector<96x4096xf32>
      %swap3A = arith.constant 0 : index
      %swap3A_143 = arith.constant 0 : index
      %swap3A_144 = vector.load %arg9[%swap3A, %swap3A_143] : memref<96x4096xf32, #tpu.memory_space<vmem>>, vector<96x4096xf32>
      tpu.vector_store %arg9[%swap3A, %swap3A_143], %add3A_142 {strides = array<i32>} : memref<96x4096xf32, #tpu.memory_space<vmem>>, vector<96x4096xf32>,
      %mul3A_145 = arith.mulf %add3A_142, %add3A_142 : vector<96x4096xf32>
      %reduce_sum3A = arith.constant dense<0.000000e+00> : vector<96xf32>
      %reduce_sum3A_146 = vector.multi_reduction <add>, %mul3A_145, %reduce_sum3A [1] : vector<96x4096xf32> to vector<96xf32>
      %broadcast_in_dim3A_147 = vector.shape_cast %reduce_sum3A_146 : vector<96xf32> to vector<96x1xf32>
      %div3A = arith.constant 4.096000e+03 : f32
      %div3A_148 = vector.broadcast %div3A : f32 to vector<96x1xf32>
      %div3A_149 = arith.divf %broadcast_in_dim3A_147, %div3A_148 : vector<96x1xf32>
      %add3A_150 = arith.constant 9.99999997E-7 : f32
      %add3A_151 = vector.broadcast %add3A_150 : f32 to vector<96x1xf32>
      %add3A_152 = arith.addf %div3A_149, %add3A_151 : vector<96x1xf32>
      %rsqrt3A = math.rsqrt %add3A_152 : vector<96x1xf32>
      %mul3A_153 = vector.broadcast %rsqrt3A : vector<96x1xf32> to vector<96x4096xf32>
      %mul3A_154 = arith.mulf %add3A_142, %mul3A_153 : vector<96x4096xf32>
      %get3A_155 = arith.constant 0 : index
      %get3A_156 = arith.constant 0 : index
      %get3A_157 = vector.load %arg7[%get3A_155, %get3A_156] : memref<1x4096xf32, #tpu.memory_space<vmem>>, vector<1x4096xf32>
      %mul3A_158 = vector.broadcast %get3A_157 : vector<1x4096xf32> to vector<96x4096xf32>
      %mul3A_159 = arith.mulf %mul3A_154, %mul3A_158 : vector<96x4096xf32>
      %swap3A_160 = arith.constant 0 : index
      %swap3A_161 = arith.constant 0 : index
      %swap3A_162 = vector.load %arg8[%swap3A_160, %swap3A_161] : memref<96x4096xf32, #tpu.memory_space<vmem>>, vector<96x4096xf32>
      tpu.vector_store %arg8[%swap3A_160, %swap3A_161], %mul3A_159 {strides = array<i32>} : memref<96x4096xf32, #tpu.memory_space<vmem>>, vector<96x4096xf32>,
    } else {
    }
    return
  }
  func.func @transform_0(%arg0: i32) -> (i32, i32) {
    %c0_i32 = arith.constant 0 : i32
    %c0_i32_0 = arith.constant 0 : i32
    %c0_i32_1 = arith.constant 0 : i32
    return %c0_i32, %c0_i32_0 : i32, i32
  }
  func.func @transform_1(%arg0: i32) -> (i32, i32) {
    %c0_i32 = arith.constant 0 : i32
    %c0_i32_0 = arith.constant 0 : i32
    %c0_i32_1 = arith.constant 0 : i32
    return %c0_i32, %c0_i32_0 : i32, i32
  }
  func.func @transform_2(%arg0: i32) -> (i32, i32) {
    %c0_i32 = arith.constant 0 : i32
    %c0_i32_0 = arith.constant 0 : i32
    return %arg0, %c0_i32 : i32, i32
  }
  func.func @transform_3(%arg0: i32) -> (i32, i32) {
    %c1_i32 = arith.constant 1 : i32
    %c0_i32 = arith.constant 0 : i32
    return %arg0, %c1_i32 : i32, i32
  }
  func.func @transform_4(%arg0: i32) -> (i32, i32) {
    %c0_i32 = arith.constant 0 : i32
    %c0_i32_0 = arith.constant 0 : i32
    %c0_i32_1 = arith.constant 0 : i32
    return %c0_i32, %c0_i32_0 : i32, i32
  }
  func.func @transform_5(%arg0: i32) -> (i32, i32) {
    %c0_i32 = arith.constant 0 : i32
    %c0_i32_0 = arith.constant 0 : i32
    %c0_i32_1 = arith.constant 0 : i32
    return %c0_i32, %c0_i32_0 : i32, i32
  }
  func.func @transform_6(%arg0: i32) -> (i32, i32) {
    %c0_i32 = arith.constant 0 : i32
    %c0_i32_0 = arith.constant 0 : i32
    %c0_i32_1 = arith.constant 0 : i32
    return %c0_i32, %c0_i32_0 : i32, i32
  }
  func.func @transform_7(%arg0: i32) -> (i32, i32) {
    %c0_i32 = arith.constant 0 : i32
    %c0_i32_0 = arith.constant 0 : i32
    %c0_i32_1 = arith.constant 0 : i32
    return %c0_i32, %c0_i32_0 : i32, i32
  }
  func.func @transform_8(%arg0: i32) -> (i32, i32) {
    %c0_i32 = arith.constant 0 : i32
    %c0_i32_0 = arith.constant 0 : i32
    %c0_i32_1 = arith.constant 0 : i32
    return %c0_i32, %c0_i32_0 : i32, i32
  }
}

</mosaic_0001>

<sc_bundles>
// kernel: kernel.4.cloned.1.call-start
scs
__scs_entry_jumppad:
0x0: {  	(pc) =	sbr.rel $0x88, $3  }
0x1: {  	(tag) =	ssettag $0x0;
	lr =	simm.s32 $0x1  }
0x2: {  	[smem:$0x3F9B] =	sst lr;
	_ =	strace $0xD0000000  }
0x3: {  	_ = 	snop  }
0x4: {  	_ = 	snop  }
0x5: {  	_ = 	snop  }
0x6: {  	_ = 	snop  }
0x7: {  	_ = 	snop  }
__scs_overlays_trampoline_lowered:
0x8: {  	[smem:$0x3FAA] =	sst s0  }
0x9: {  	[smem:$0x3FAB] =	sst s1  }
0xa: {  	[smem:$0x3FAC] =	sst s2  }
0xb: {  	[smem:$0x3FAD] =	sst s3  }
0xc: {  	[smem:$0x3FAE] =	sst s4  }
0xd: {  	[smem:$0x3FAF] =	sst s5  }
0xe: {  	[smem:$0x3FB0] =	sst s6  }
0xf: {  	[smem:$0x3FB1] =	sst s7  }
0x10: {  	[smem:$0x3FB2] =	sst s8  }
0x11: {  	[smem:$0x3FB3] =	sst s9;
	s0 =	simm.s32 @!p0 $0x0  }
0x12: {  	s1 =	sld [smem:$0x3F99];
	s0 =	simm.s32 @p0 $0x1  }
0x13: {  	[smem:$0x3FB4] =	sst s0;
	s0 =	simm.s32 @!p1 $0x0  }
0x14: {  	s2 =	sld [smem:$0x3F98];
	s0 =	simm.s32 @p1 $0x1  }
0x15: {  	[smem:$0x3FB5] =	sst s0;
	s0 =	simm.s32 @!p2 $0x0  }
0x16: {  	s3 =	sld [smem:$0x3FDB];
	s0 =	simm.s32 @p2 $0x1  }
0x17: {  	s4 =	simm.s32 $0x1BF5;
	[smem:$0x3FB7] =	sst s0  }
0x18: {  	s0 =	sld [smem:$0x3F9A];
	_ =	swait.ge [sflag:s4], $0x0  }
0x19: {  	s7 =	sld [smem:$0x3F9B]  }
0x1a: {  	s8 =	sadd.s32 $0xFFFFE003, lr  }
0x1b: {  	s9 =	sadd.s32 $0xFFFFFEF7, lr;
	s5 =	simm.s32 $0xFFFFFFFF;
	p2 =	slt.u32 s8, $0xFFFFF086  }
0x1c: {  	p1 =	slt.u32 s9, $0xF7A;
	s5 =	simm.s32 @!p2 $0x0  }
0x1d: {  	s5 =	simm.s32 @p1 $0x1;
	p0 =	seq.s32 s7, s2  }
0x1e: {  	s7 =	smul.u32 @!p0 $0xF7A, s2;
	p2 =	seq.s32 @!p0 s5, $0x0  }
0x1f: {  	s9 =	smul.u32 $0xF7A, s1;
	s8 =	simm.s32 @!p0 $0x1BF5;
	p2 =	por !p2, p0  }
0x20: {  	[sflag:s8] =	ssyncset.s32 @!p0 $0xFFFFF086;
	s6 =	sadd.s32 @!p0 s3, s7;
	s7 =	simm.s32 @!p0 $0x108  }
0x21: {  	s3 =	sadd.s32 s3, s9;
	s6 =	sadd.s32 @!p0 $0x88, s6;
	s7 =	simm.s32 @p2 $0x1082  }
0x22: {  	[simem:s7], [sflag:s8] =	dma.local @!p0 [hbm:s6], $0xF7A  }
0x23: {  	s9 =	sor.u32 $0xD0000000, s2;
	s6 =	simm.s32 $0x108;
	_ =	swait.ge @!p0 [sflag:s8], $0x0  }
0x24: {  	s3 =	sadd.s32 $0x88, s3;
	s6 =	simm.s32 @!p1 $0x1082;
	[sflag:s4] =	ssyncset.s32 $0xFFFFF086  }
0x25: {  	[simem:s6], [sflag:s4] =	dma.local [hbm:s3], $0xF7A  }
0x26: {  	[smem:$0x3F9B] =	sst s1;
	(tag) =	ssettag s2;
	_ =	strace s9  }
0x27: {  	s1 =	sld [smem:$0x3FAB]  }
0x28: {  	s2 =	sld [smem:$0x3FAC]  }
0x29: {  	s4 =	sld [smem:$0x3FAE]  }
0x2a: {  	p0 =	seq.s32 s5, $0x0;
	s5 =	sld [smem:$0x3FAF]  }
0x2b: {  	s6 =	sld [smem:$0x3FB0]  }
0x2c: {  	s7 =	sld [smem:$0x3FB1]  }
0x2d: {  	s3 =	simm.s32 $0x108;
	s8 =	sld [smem:$0x3FB2]  }
0x2e: {  	s3 =	simm.s32 @!p0 $0x1082;
	s9 =	sld [smem:$0x3FB3]  }
0x2f: {  	lr =	sadd.s32 s0, s3;
	s0 =	sld [smem:$0x3FAA]  }
0x30: {  	s3 =	sld [smem:$0x3FAD]  }
0x31: {  	[smem:$0x3FB6] =	sst s10  }
0x32: {  	s10 =	sld [smem:$0x3FB4];
	_ =	sdelay $0x3  }
0x33: {  	p0 =	seq.s32 s10, $0x1;
	s10 =	sld [smem:$0x3FB6];
	_ =	sdelay $0x3  }
0x34: {  	[smem:$0x3FB6] =	sst s10  }
0x35: {  	s10 =	sld [smem:$0x3FB5];
	_ =	sdelay $0x3  }
0x36: {  	p1 =	seq.s32 s10, $0x1;
	s10 =	sld [smem:$0x3FB6];
	_ =	sdelay $0x3  }
0x37: {  	[smem:$0x3FB6] =	sst s10  }
0x38: {  	s10 =	sld [smem:$0x3FB7]  }
0x39: {  	_ = 	snop;
	(pc) =	sbr.ind lr, $3  }
0x3a: {  	_ = 	snop  }
0x3b: {  	_ = 	snop  }
0x3c: {  	p2 =	seq.s32 s10, $0x1;
	s10 =	sld [smem:$0x3FB6]  }
0x3d: {  	_ =	shalt  }
0x3e: {  	_ =	shalt  }
0x3f: {  	_ =	shalt  }
0x40: {  	_ =	shalt  }
0x41: {  	_ =	shalt  }
0x42: {  	_ =	shalt  }
0x43: {  	_ =	shalt  }
0x44: {  	_ =	shalt  }
0x45: {  	_ =	shalt  }
0x46: {  	_ =	shalt  }
0x47: {  	_ =	shalt  }
0x48: {  	_ =	shalt  }
0x49: {  	_ =	shalt  }
0x4a: {  	_ =	shalt  }
0x4b: {  	_ =	shalt  }
0x4c: {  	_ =	shalt  }
0x4d: {  	_ =	shalt  }
0x4e: {  	_ =	shalt  }
0x4f: {  	_ =	shalt  }
0x50: {  	_ =	shalt  }
0x51: {  	_ =	shalt  }
0x52: {  	_ =	shalt  }
0x53: {  	_ =	shalt  }
0x54: {  	_ =	shalt  }
0x55: {  	_ =	shalt  }
0x56: {  	_ =	shalt  }
0x57: {  	_ =	shalt  }
0x58: {  	_ =	shalt  }
0x59: {  	_ =	shalt  }
0x5a: {  	_ =	shalt  }
0x5b: {  	_ =	shalt  }
0x5c: {  	_ =	shalt  }
0x5d: {  	_ =	shalt  }
0x5e: {  	_ =	shalt  }
0x5f: {  	_ =	shalt  }
0x60: {  	_ =	shalt  }
0x61: {  	_ =	shalt  }
0x62: {  	_ =	shalt  }
0x63: {  	_ =	shalt  }
0x64: {  	_ =	shalt  }
0x65: {  	_ =	shalt  }
0x66: {  	_ =	shalt  }
0x67: {  	_ =	shalt  }
0x68: {  	_ =	shalt  }
0x69: {  	_ =	shalt  }
0x6a: {  	_ =	shalt  }
0x6b: {  	_ =	shalt  }
0x6c: {  	_ =	shalt  }
0x6d: {  	_ =	shalt  }
0x6e: {  	_ =	shalt  }
0x6f: {  	_ =	shalt  }
0x70: {  	_ =	shalt  }
0x71: {  	_ =	shalt  }
0x72: {  	_ =	shalt  }
0x73: {  	_ =	shalt  }
0x74: {  	_ =	shalt  }
0x75: {  	_ =	shalt  }
0x76: {  	_ =	shalt  }
0x77: {  	_ =	shalt  }
0x78: {  	_ =	shalt  }
0x79: {  	_ =	shalt  }
0x7a: {  	_ =	shalt  }
0x7b: {  	_ =	shalt  }
0x7c: {  	_ =	shalt  }
0x7d: {  	_ =	shalt  }
0x7e: {  	_ =	shalt  }
0x7f: {  	_ =	shalt  }
0x80: {  	_ =	shalt  }
0x81: {  	_ =	shalt  }
0x82: {  	_ =	shalt  }
0x83: {  	_ =	shalt  }
0x84: {  	_ =	shalt  }
0x85: {  	_ =	shalt  }
0x86: {  	_ =	shalt  }
0x87: {  	_ =	shalt  }
.Lfunc_end0:
.L_simem_size_0:
called_computation_lowered:
.L_overlay_start_0:
0x88: {  	s2 =	sld [smem:$0x3FD9]  }
0x89: {  	s3 =	sld [smem:$0x3FFE];
	_ =	sdelay $0x1  }
0x8a: {  	s1 =	srdreg.scid  }
0x8b: {  	s0 =	sand.u32 $0x1, s1  }
0x8c: {  	s17 =	sshll.u32 s0, $0xA;
	s2 =	sadd.s32 s3, s2  }
0x8d: {  	s2 =	sadd.s32 s2, s17  }
0x8e: {  	[smem:$0x3FC2] =	sst s2  }
0x8f: {  	_ = 	snop  }
0x90: {  	s2 =	sld [smem:$0x3FC9]  }
0x91: {  	s18 =	sld [smem:$0x3FC8]  }
0x92: {  	s4 =	sld [smem:$0x3FC7]  }
0x93: {  	s5 =	sld [smem:$0x3FC5];
	(tm) =	ssettm $0x1  }
0x94: {  	s6 =	sld [smem:$0x3FFB];
	_ =	sdelay $0x3  }
0x95: {  	_ =	strace s6  }
0x96: {  	s6 =	sld [smem:$0x3FFC];
	_ =	sdelay $0x3  }
0x97: {  	_ =	strace s6  }
0x98: {  	s6 =	sld [smem:$0x3FFD];
	_ =	sdelay $0x3  }
0x99: {  	_ =	strace s6  }
0x9a: {  	_ =	strace $0x8FFFFFFF  }
0x9b: {  	s19 =	sld [smem:$0x3FDB];
	_ =	sdelay $0x1  }
0x9c: {  	s7 =	simm.s32 $_scs_section_size  }
0x9d: {  	s8 =	simm.s32 $_size__tile_overlayer_lowered;
	s9 =	simm.s32 $_tile_overlayer_lowered  }
0x9e: {  	s22 =	simm.s32 $0x1BFF;
	s21 =	sshll.u32 s9, $0x1;
	s6 =	sadd.s32 s7, s19  }
0x9f: {  	s10 =	simm.s32 $0x0;
	s20 =	sshll.u32 s8, $0x1;
	s8 =	sadd.s32 s21, s6  }
0xa0: {  	[timem:s10], [sflag:s22] =	dma.local [hbm:s8], s20  }
0xa1: {  	_ =	swait.ge [sflag:s22], s20  }
0xa2: {  	s7 =	ssub.s32 $0x0, s20;
	[sflag:s22] =	ssyncset.done $0x0  }
0xa3: {  	[sflag:s22] =	ssyncadd.s32 s7;
	_ =	sdelay $0x1  }
0xa4: {  	s23 =	simm.s32 $0x1B8B  }
0xa5: {  	_ =	swait.ge [sflag:s23], $0x1  }
0xa6: {  	[sflag:s23] =	ssyncset.done $0x0  }
0xa7: {  	s25 =	simm.s32 $0x1B8E;
	s24 =	sld [smem:$0x3FFE];
	[sflag:s23] =	ssyncadd.s32 $0xFFFFFFFF  }
0xa8: {  	s26 =	simm.s32 $execute0_lowered;
	[smem:$0x3FD2] =	sst s25  }
0xa9: {  	s8 =	sshll.u32 s26, $0x1;
	_ =	strace $0x80000046;
	[dreg:$0x1] =	wrdreg $0xFFFFFFFF  }
0xaa: {  	s28 =	simm.s32 $_size_execute0_lowered;
	s6 =	sadd.s32 s6, s8;
	[dreg:$0x0] =	wrdreg $0x0  }
0xab: {  	s8 =	sshll.u32 s28, $0x1;
	[dreg:$0x2] =	wrdreg s6  }
0xac: {  	[dreg:$0x3] =	wrdreg s8  }
0xad: {  	[dreg:$0x4] =	wrdreg $0xC0  }
0xae: {  	_ =	task [dreg:s10], $0x5FFFF  }
0xaf: {  	[dreg:$0x1] =	wrdreg $0xFFFFFFFF  }
0xb0: {  	[dreg:$0x0] =	wrdreg $0x60  }
0xb1: {  	[dreg:$0x2] =	wrdreg s2  }
0xb2: {  	[dreg:$0x3] =	wrdreg s24  }
0xb3: {  	[dreg:$0x4] =	wrdreg s18  }
0xb4: {  	[dreg:$0x5] =	wrdreg s5  }
0xb5: {  	[dreg:$0x6] =	wrdreg s4  }
0xb6: {  	[dreg:$0x7] =	wrdreg $0x9  }
0xb7: {  	_ =	task.clear_ibuf [dreg:s10], $0x8FFFF;
	_ =	strace $0x90000046  }
0xb8: {  	s29 =	simm.s32 $0x9;
	_ =	strace $0x80000048  }
0xb9: {  	_ =	swait.ge [sflag:s29], $0x1  }
0xba: {  	[sflag:s29] =	ssyncadd.s32 $0xFFFFFFFF  }
0xbb: {  	_ =	strace $0x90000048  }
0xbc: {  	_ =	sfence  }
0xbd: {  	s30 =	sld [smem:$0x0];
	_ =	sdelay $0x2  }
0xbe: {  	s31 =	sshll.u32 s1, $0xD;
	s1 =	sshrl.u32 s1, $0x2  }
0xbf: {  	s3 =	sand.u32 $0x4000, s31;
	s1 =	sadd.s32 s1, s30  }
0xc0: {  	s0 =	sor.u32 s3, s0;
	s1 =	sshll.u32 s1, $0x11  }
0xc1: {  	s0 =	sor.u32 s1, s0  }
0xc2: {  	s0 =	sadd.s32 $0x8F2B, s0  }
0xc3: {  	[sflag:s0] =	ssyncadd.remote.s32 $0x1  }
0xc4: {  	_ =	sfence.sel $0xFFFF  }
0xc5: {  	[dreg:$0x0] =	wrdreg $0xFFFFFFFF;
	(pc) =	sbr.abs _section_cstart, $3  }
0xc6: {  	[dreg:$0x1] =	wrdreg $0xFFFFFFFF  }
0xc7: {  	_ =	task.clear_ibuf [dreg:s10], $0x2FFFF;
	_ =	strace $0x9FFFFFFF  }
0xc8: {  	(tm) =	ssettm $0x7FFFFFFF  }
0xc9: {  	_ =	shalt  }
tec
execute0_lowered:
.L_overlay_start_1:
0x0: {  	(tag) =	ssettag $0x1  }
0x1: {  	s11 =	rddreg [dreg:$0x0]  }
0x2: {  	s0 =	rddreg [dreg:$0x1]  }
0x3: {  	s2 =	rddreg [dreg:$0x2]  }
0x4: {  	s1 =	srdreg.scid;
	s5 =	rddreg [dreg:$0x3];
	s4 =	simm.s32 $0x0  }
0x5: {  	s10 =	stileid.u32;
	[smem:$0x7FF] =	sst s4;
	s16 =	sadd.s32 $0x100, s11  }
0x6: {  	s17 =	sadd.s32 $0x200, s11;
	_ =	strace $0x80000047;
	[dreg:$0x8] =	wrdreg s16  }
0x7: {  	s28 =	simm.s32 $0x80;
	s18 =	sadd.s32 $0x300, s11;
	[dreg:$0x9] =	wrdreg s17  }
0x8: {  	s29 =	simm.s32 $0x5;
	s19 =	sadd.s32 $0x400, s11;
	[dreg:$0xa] =	wrdreg s18  }
0x9: {  	s31 =	simm.s32 $0x400;
	s20 =	sadd.s32 $0x500, s11;
	[dreg:$0xb] =	wrdreg s19  }
0xa: {  	s30 =	simm.s32 $0x13100;
	s21 =	sadd.s32 $0x600, s11;
	[dreg:$0xc] =	wrdreg s20  }
0xb: {  	s1 =	sand.u32 $0x1, s1;
	s22 =	sadd.s32 $0x700, s11;
	[dreg:$0xd] =	wrdreg s21  }
0xc: {  	s3 =	sshll.u32 s10, $0x1;
	s23 =	sadd.s32 $0x800, s11;
	[dreg:$0xe] =	wrdreg s22  }
0xd: {  	s10 =	sshll.u32 s10, $0xD;
	s24 =	sadd.s32 $0x900, s11;
	[dreg:$0xf] =	wrdreg s23  }
0xe: {  	s25 =	sadd.s32 $0xA00, s11;
	s3 =	sor.u32 s1, s3;
	[dreg:$0x10] =	wrdreg s24  }
0xf: {  	s1 =	ssub.s32 $0x2, s1;
	[dreg:$0x11] =	wrdreg s25;
	s17 =	sadd.s32 $0xB00, s11  }
0x10: {  	s18 =	sadd.s32 $0xC00, s11;
	s19 =	sadd.s32 $0xD00, s11;
	s20 =	sadd.s32 $0xE00, s11  }
0x11: {  	s6 =	sor.u32 $0x60, s3;
	s3 =	sshll.u32 s3, $0x7;
	s13 =	sshrl.u32 s1, $0x1  }
0x12: {  	s7 =	sshrl.u32 s6, $0x3;
	s9 =	sand.u32 $0x380, s3;
	s3 =	sor.u32 s10, s3  }
0x13: {  	s6 =	sadd.s32 s6, s0;
	s1 =	ssub.s32 s1, s13;
	s8 =	sshll.u32 s7, $0xA  }
0x14: {  	s3 =	sand.u32 $0x18380, s3;
	s14 =	sadd.s32 $0x1E00, s6;
	s26 =	sshll.u32 s7, $0xF  }
0x15: {  	s25 =	smax.u32 s1, $0x1;
	s1 =	simm.s32 $0x4;
	s8 =	sor.u32 s9, s8  }
0x16: {  	s3 =	sshrl.u32 s3, $0x3;
	[dreg:$0x6] =	wrdreg s14;
	s8 =	sshrl.u32 s8, $0x3  }
0x17: {  	s8 =	sadd.s32 s8, s0;
	s0 =	sadd.s32 s3, s0;
	s3 =	sor.u32 s9, s26  }
0x18: {  	s26 =	sadd.s32 $0xF00, s11;
	s15 =	sadd.s32 $0x1600, s8;
	s3 =	sshrl.u32 s3, $0x3  }
0x19: {  	v0 =	vlaneseq.u32;
	s23 =	sadd.s32 $0x6000, s0;
	s24 =	sadd.s32 $0x2000, s0;
	s0 =	simm.s32 $0x1  }
0x1a: {  	v1 =	vshrl.u32 v0, $0x3;
	[dreg:$0x7] =	wrdreg s15;
	s21 =	sadd.s32 s2, s3;
	s22 =	sadd.s32 s5, s3  }
0x1b: {  	vm0 =	vmmov $0xffff;
	v0 =	vand.u32 $0x7, v0;
	v1 =	vmul.u32 $0x8, v1;
	s3 =	simm.s32 $0x2;
	s2 =	simm.s32 $0x3;
	s5 =	simm.s32 $0x0  }
.LBB2_1:
0x1c: {  	s6 =	rddreg [dreg:$0x6]  }
0x1d: {  	[tilespmem:s28], [sflag:$0x2] =	stream.linear.gather [hbm4b:s6+s4], $0x8, $0x38;
	[tilespmem:$0x17100] =	vst v63  }
0x1e: {  	s15 =	rddreg [dreg:$0x7]  }
0x1f: {  	[tilespmem:s4], [sflag:$0x5] =	stream.linear.gather [hbm4b:s15+s4], $0x80, $0x38;
	[tilespmem:$0x17100] =	vst v63  }
0x20: {  	_ =	swait.ge [sflag:s29], $0x80  }
0x21: {  	[sflag:s29] =	ssyncset.done $0x0  }
0x22: {  	[sflag:s29] =	ssyncadd.s32 $0xFFFFFF80  }
0x23: {  	v2 =	vld.msk [tilespmem:$0x0], $0xff;
	_ =	sdelay $0x4  }
0x24: {  	v3 =	vshll.u32 v2, $0x5  }
0x25: {  	v2 =	vand.u32 $0x7, v2;
	v3 =	vand.u32 $0xFFFFFF00, v3  }
0x26: {  	v2 =	vor.u32 v2, v3  }
0x27: {  	v2 =	vperm.xlane v2, v0;
	_ =	sdelay $0x1  }
0x28: {  	v2 =	vadd.s32 v1, v2;
	_ =	sdelay $0x3  }
0x29: {  	s7 =	simm.s32 $0x100;
	s16 =	rddreg [dreg:$0x0]  }
0x2a: {  	[tilespmem:s7], [sflag:$0x1] =	stream.indirect_vreg.gather [hbm4b:s16+s4], $0x80, v2, vm0, $0xb8;
	[tilespmem:$0x17100] =	vst v63  }
0x2b: {  	s8 =	simm.s32 $0x900;
	s7 =	rddreg [dreg:$0x8]  }
0x2c: {  	[tilespmem:s8], [sflag:$0x1] =	stream.indirect_vreg.gather [hbm4b:s7+s4], $0x80, v2, vm0, $0xb8;
	[tilespmem:$0x17100] =	vst v63  }
0x2d: {  	s10 =	simm.s32 $0x1100;
	s9 =	rddreg [dreg:$0x9]  }
0x2e: {  	[tilespmem:s10], [sflag:$0x1] =	stream.indirect_vreg.gather [hbm4b:s9+s4], $0x80, v2, vm0, $0xb8;
	[tilespmem:$0x17100] =	vst v63  }
0x2f: {  	s12 =	simm.s32 $0x1900;
	s11 =	rddreg [dreg:$0xa]  }
0x30: {  	[tilespmem:s12], [sflag:$0x1] =	stream.indirect_vreg.gather [hbm4b:s11+s4], $0x80, v2, vm0, $0xb8;
	[tilespmem:$0x17100] =	vst v63  }
0x31: {  	s14 =	simm.s32 $0x2100;
	s13 =	rddreg [dreg:$0xb]  }
0x32: {  	[tilespmem:s14], [sflag:$0x1] =	stream.indirect_vreg.gather [hbm4b:s13+s4], $0x80, v2, vm0, $0xb8;
	[tilespmem:$0x17100] =	vst v63  }
0x33: {  	s15 =	rddreg [dreg:$0xc];
	s16 =	simm.s32 $0x2900  }
0x34: {  	[tilespmem:s16], [sflag:$0x1] =	stream.indirect_vreg.gather [hbm4b:s15+s4], $0x80, v2, vm0, $0xb8;
	[tilespmem:$0x17100] =	vst v63  }
0x35: {  	s7 =	rddreg [dreg:$0xd];
	s8 =	simm.s32 $0x3100  }
0x36: {  	[tilespmem:s8], [sflag:$0x1] =	stream.indirect_vreg.gather [hbm4b:s7+s4], $0x80, v2, vm0, $0xb8;
	[tilespmem:$0x17100] =	vst v63  }
0x37: {  	s9 =	rddreg [dreg:$0xe];
	s10 =	simm.s32 $0x3900  }
0x38: {  	[tilespmem:s10], [sflag:$0x1] =	stream.indirect_vreg.gather [hbm4b:s9+s4], $0x80, v2, vm0, $0xb8;
	[tilespmem:$0x17100] =	vst v63  }
0x39: {  	s11 =	rddreg [dreg:$0xf];
	s12 =	simm.s32 $0x4100  }
0x3a: {  	[tilespmem:s12], [sflag:$0x1] =	stream.indirect_vreg.gather [hbm4b:s11+s4], $0x80, v2, vm0, $0xb8;
	[tilespmem:$0x17100] =	vst v63  }
0x3b: {  	s13 =	rddreg [dreg:$0x10];
	s14 =	simm.s32 $0x4900  }
0x3c: {  	[tilespmem:s14], [sflag:$0x1] =	stream.indirect_vreg.gather [hbm4b:s13+s4], $0x80, v2, vm0, $0xb8;
	[tilespmem:$0x17100] =	vst v63  }
0x3d: {  	s15 =	rddreg [dreg:$0x11];
	s16 =	simm.s32 $0x5100  }
0x3e: {  	[tilespmem:s16], [sflag:$0x1] =	stream.indirect_vreg.gather [hbm4b:s15+s4], $0x80, v2, vm0, $0xb8;
	[tilespmem:$0x17100] =	vst v63  }
0x3f: {  	s8 =	simm.s32 $0x5900  }
0x40: {  	[tilespmem:s8], [sflag:$0x1] =	stream.indirect_vreg.gather [hbm4b:s17+s4], $0x80, v2, vm0, $0xb8;
	[tilespmem:$0x17100] =	vst v63  }
0x41: {  	s9 =	simm.s32 $0x6100  }
0x42: {  	[tilespmem:s9], [sflag:$0x1] =	stream.indirect_vreg.gather [hbm4b:s18+s4], $0x80, v2, vm0, $0xb8;
	[tilespmem:$0x17100] =	vst v63  }
0x43: {  	s10 =	simm.s32 $0x6900  }
0x44: {  	[tilespmem:s10], [sflag:$0x1] =	stream.indirect_vreg.gather [hbm4b:s19+s4], $0x80, v2, vm0, $0xb8;
	[tilespmem:$0x17100] =	vst v63  }
0x45: {  	s11 =	simm.s32 $0x7100  }
0x46: {  	[tilespmem:s11], [sflag:$0x1] =	stream.indirect_vreg.gather [hbm4b:s20+s4], $0x80, v2, vm0, $0xb8;
	[tilespmem:$0x17100] =	vst v63  }
0x47: {  	s12 =	simm.s32 $0x7900  }
0x48: {  	[tilespmem:s12], [sflag:$0x1] =	stream.indirect_vreg.gather [hbm4b:s26+s4], $0x80, v2, vm0, $0xb8;
	[tilespmem:$0x17100] =	vst v63  }
0x49: {  	s13 =	simm.s32 $0x10100  }
0x4a: {  	[tilespmem:s13], [sflag:$0x2] =	stream.strided.gather [hbm4b:s21+s28], $0x1000, s31, s28, $0x38;
	[tilespmem:$0x17100] =	vst v63  }
0x4b: {  	s14 =	simm.s32 $0x11100  }
0x4c: {  	[tilespmem:s14], [sflag:$0x2] =	stream.strided.gather [hbm4b:s22+s28], $0x1000, s31, s28, $0x38;
	[tilespmem:$0x17100] =	vst v63  }
0x4d: {  	s8 =	rddreg [dreg:$0x4];
	s9 =	simm.s32 $0x12100  }
0x4e: {  	[tilespmem:s9], [sflag:$0x2] =	stream.linear.gather [hbm4b:s8+s4], $0x1000, $0x38;
	[tilespmem:$0x17100] =	vst v63  }
0x4f: {  	_ =	swait.ge [sflag:s0], $0x8000  }
0x50: {  	[sflag:s0] =	ssyncset.done $0x0  }
0x51: {  	[sflag:s0] =	ssyncadd.s32 $0xFFFF8000  }
0x52: {  	_ =	swait.ge [sflag:s3], $0x8  }
0x53: {  	[sflag:s3] =	ssyncset.done $0x0  }
0x54: {  	[sflag:s3] =	ssyncadd.s32 $0xFFFFFFF8  }
0x55: {  	_ =	swait.ge [sflag:s3], $0x1000  }
0x56: {  	[sflag:s3] =	ssyncset.done $0x0  }
0x57: {  	[sflag:s3] =	ssyncadd.s32 $0xFFFFF000  }
0x58: {  	_ =	swait.ge [sflag:s3], $0x1000  }
0x59: {  	[sflag:s3] =	ssyncset.done $0x0  }
0x5a: {  	[sflag:s3] =	ssyncadd.s32 $0xFFFFF000  }
0x5b: {  	_ =	swait.ge [sflag:s3], $0x1000  }
0x5c: {  	s15 =	sand.u32 $0x60, s4;
	s16 =	sand.u32 $0x7C00, s4;
	[sflag:s3] =	ssyncset.done $0x0  }
0x5d: {  	s10 =	sor.u32 $0x10, s15;
	s9 =	sor.u32 $0x100, s16;
	[sflag:s3] =	ssyncadd.s32 $0xFFFFF000  }
0x5e: {  	s11 =	sor.u32 s10, s9;
	v9 =	vld [tilespmem:$0x80]  }
0x5f: {  	v10 =	vld [tilespmem:s11+$0x200]  }
0x60: {  	v11 =	vld [tilespmem:s11+$0x280]  }
0x61: {  	v12 =	vld [tilespmem:s11+$0x300]  }
0x62: {  	v13 =	vld [tilespmem:s11+$0x380]  }
0x63: {  	v14 =	vld [tilespmem:s11+$0x0]  }
0x64: {  	v15 =	vld [tilespmem:s11+$0x80]  }
0x65: {  	v16 =	vld [tilespmem:s11+$0x100]  }
0x66: {  	v17 =	vld [tilespmem:s11+$0x180]  }
0x67: {  	s8 =	sor.u32 s15, s9;
	v18 =	vld [tilespmem:s14+$0x0]  }
0x68: {  	v19 =	vld [tilespmem:s8+$0x380]  }
0x69: {  	v20 =	vld [tilespmem:s8+$0x300];
	v2 =	vbroadcast v9, $0x0;
	v3 =	vbroadcast v9, $0x1  }
0x6a: {  	v21 =	vld [tilespmem:s8+$0x180];
	v4 =	vbroadcast v9, $0x2;
	v5 =	vbroadcast v9, $0x3  }
0x6b: {  	v22 =	vld [tilespmem:s8+$0x100];
	v6 =	vbroadcast v9, $0x4;
	v7 =	vbroadcast v9, $0x5  }
0x6c: {  	v23 =	vld [tilespmem:s8+$0x80];
	v8 =	vbroadcast v9, $0x6;
	v9 =	vbroadcast v9, $0x7  }
0x6d: {  	v24 =	vld [tilespmem:s8+$0x0];
	v10 =	vmul.f32 v10, v6;
	v11 =	vmul.f32 v11, v7  }
0x6e: {  	v25 =	vld [tilespmem:s8+$0x280];
	v12 =	vmul.f32 v12, v8;
	v14 =	vmul.f32 v14, v2  }
0x6f: {  	v27 =	vld [tilespmem:s13+$0x0];
	v13 =	vmul.f32 v13, v9;
	v15 =	vmul.f32 v15, v3  }
0x70: {  	v26 =	vld [tilespmem:s8+$0x200];
	s8 =	sand.u32 $0xF80, s4;
	v16 =	vmul.f32 v16, v4;
	v19 =	vmul.f32 v19, v9  }
0x71: {  	s9 =	sor.u32 s8, s10;
	v17 =	vmul.f32 v17, v5;
	v21 =	vmul.f32 v21, v5  }
0x72: {  	v45 =	vmul.f32 v24, v2;
	v23 =	vmul.f32 v23, v3;
	v12 =	vadd.f32 v13, v12;
	v13 =	vld [tilespmem:s9+$0x11100]  }
0x73: {  	v10 =	vadd.f32 v11, v10;
	v11 =	vmul.f32 v22, v4;
	v14 =	vadd.f32 v15, v14;
	v15 =	vld [tilespmem:s9+$0x10100]  }
0x74: {  	v18 =	vadd.f32 v18, v27;
	v46 =	vmul.f32 v25, v7;
	v20 =	vmul.f32 v20, v8  }
0x75: {  	v47 =	vmul.f32 v26, v6;
	v22 =	vadd.f32 v23, v45;
	v11 =	vadd.f32 v21, v11  }
0x76: {  	v16 =	vadd.f32 v17, v16;
	v19 =	vadd.f32 v19, v20  }
0x77: {  	v17 =	vadd.f32 v46, v47;
	v11 =	vadd.f32 v11, v22  }
0x78: {  	v14 =	vadd.f32 v16, v14;
	v13 =	vadd.f32 v13, v15  }
0x79: {  	v15 =	vadd.f32 v19, v17;
	v11 =	vadd.f32 v18, v11  }
0x7a: {  	v10 =	vadd.f32 v12, v10;
	v13 =	vadd.f32 v13, v14  }
0x7b: {  	s11 =	simm.s32 $0x20;
	s10 =	simm.s32 $0x100;
	v11 =	vadd.f32 v11, v15  }
0x7c: {  	s12 =	sand.u32 $0x60, s11;
	s7 =	sand.u32 $0x7C00, s10;
	v12 =	vadd.f32 v13, v10  }
0x7d: {  	s14 =	sor.u32 $0x10, s12;
	s13 =	sor.u32 $0x100, s7;
	[tilespmem:s30+$0x0] =	vst v11  }
0x7e: {  	s7 =	sor.u32 s14, s13;
	[tilespmem:s9+$0x13100] =	vst v12  }
0x7f: {  	v10 =	vld [tilespmem:s7+$0x200]  }
0x80: {  	v13 =	vld [tilespmem:s7+$0x280]  }
0x81: {  	v14 =	vld [tilespmem:s7+$0x300]  }
0x82: {  	v15 =	vld [tilespmem:s7+$0x380]  }
0x83: {  	v48 =	vld [tilespmem:s7+$0x0]  }
0x84: {  	v49 =	vld [tilespmem:s7+$0x80]  }
0x85: {  	v50 =	vld [tilespmem:s7+$0x100]  }
0x86: {  	s15 =	sor.u32 s12, s13;
	v51 =	vld [tilespmem:s7+$0x180]  }
0x87: {  	v53 =	vld [tilespmem:s15+$0x380]  }
0x88: {  	v54 =	vld [tilespmem:s15+$0x300]  }
0x89: {  	v55 =	vld [tilespmem:s15+$0x180]  }
0x8a: {  	v56 =	vld [tilespmem:s15+$0x100]  }
0x8b: {  	v11 =	vmul.f32 v11, v11;
	v57 =	vld [tilespmem:s15+$0x80]  }
0x8c: {  	s16 =	sand.u32 $0xF80, s11;
	v59 =	vld [tilespmem:s15+$0x0];
	v58 =	vmul.f32 v10, v6;
	v13 =	vmul.f32 v13, v7  }
0x8d: {  	s8 =	sor.u32 s16, s14;
	v29 =	vld [tilespmem:s15+$0x280];
	v14 =	vmul.f32 v14, v8;
	v16 =	vmul.f32 v48, v2  }
0x8e: {  	v28 =	vimm.f32 $0.0e+00;
	v60 =	vld [tilespmem:s8+$0x10100];
	v15 =	vmul.f32 v15, v9;
	v17 =	vmul.f32 v49, v3  }
0x8f: {  	s7 =	simm.s32 $0x11120;
	v10 =	vadd.f32 v11, v28;
	v11 =	vld [tilespmem:s15+$0x200];
	v18 =	vmul.f32 v50, v4;
	v21 =	vmul.f32 v53, v9  }
0x90: {  	s9 =	simm.s32 $0x10120;
	v52 =	vld [tilespmem:s7+$0x0];
	v24 =	vmul.f32 v56, v4;
	v23 =	vmul.f32 v55, v5  }
0x91: {  	v27 =	vmul.f32 v59, v2;
	v25 =	vmul.f32 v57, v3;
	v26 =	vadd.f32 v13, v58;
	v13 =	vld [tilespmem:s9+$0x0]  }
0x92: {  	v19 =	vmul.f32 v51, v5;
	v29 =	vmul.f32 v29, v7;
	v14 =	vadd.f32 v15, v14;
	v15 =	vld [tilespmem:s8+$0x11100]  }
0x93: {  	v22 =	vmul.f32 v54, v8;
	v61 =	vadd.f32 v25, v27;
	v23 =	vadd.f32 v23, v24  }
0x94: {  	v16 =	vadd.f32 v17, v16;
	v18 =	vadd.f32 v19, v18;
	v11 =	vmul.f32 v11, v6  }
0x95: {  	v21 =	vadd.f32 v21, v22;
	v19 =	vadd.f32 v23, v61  }
0x96: {  	v13 =	vadd.f32 v52, v13;
	v11 =	vadd.f32 v29, v11  }
0x97: {  	v16 =	vadd.f32 v18, v16;
	v15 =	vadd.f32 v15, v60  }
0x98: {  	v12 =	vmul.f32 v12, v12;
	v62 =	vadd.f32 v13, v19;
	v63 =	vadd.f32 v21, v11  }
0x99: {  	s6 =	simm.s32 $0x13100;
	v14 =	vadd.f32 v14, v26;
	v13 =	vadd.f32 v15, v16  }
0x9a: {  	s11 =	simm.s32 $0x200;
	s10 =	simm.s32 $0x2;
	s12 =	simm.s32 $0x40;
	v11 =	vadd.f32 v12, v28;
	v12 =	vadd.f32 v62, v63  }
.LBB2_2:
0x9b: {  	s13 =	sand.u32 $0x60, s12;
	s14 =	sand.u32 $0x7C00, s11;
	v13 =	vadd.f32 v13, v14;
	s6 =	sadd.s32 $0x20, s6  }
0x9c: {  	s14 =	sor.u32 $0x100, s14;
	s15 =	sor.u32 $0x10, s13;
	[tilespmem:s6+$0x0] =	vst v12;
	v12 =	vmul.f32 v12, v12  }
0x9d: {  	s16 =	sor.u32 s15, s14;
	[tilespmem:s8+$0x13100] =	vst v13;
	v13 =	vmul.f32 v13, v13  }
0x9e: {  	v14 =	vld [tilespmem:s16+$0x200];
	v10 =	vadd.f32 v12, v10  }
0x9f: {  	v12 =	vld [tilespmem:s16+$0x280];
	v11 =	vadd.f32 v13, v11  }
0xa0: {  	v13 =	vld [tilespmem:s16+$0x300]  }
0xa1: {  	v15 =	vld [tilespmem:s16+$0x380]  }
0xa2: {  	v16 =	vld [tilespmem:s16+$0x0]  }
0xa3: {  	v17 =	vld [tilespmem:s16+$0x80]  }
0xa4: {  	v18 =	vld [tilespmem:s16+$0x100]  }
0xa5: {  	s7 =	sadd.s32 $0x20, s7;
	v19 =	vld [tilespmem:s16+$0x180]  }
0xa6: {  	s8 =	sor.u32 s13, s14;
	v20 =	vld [tilespmem:s7+$0x0]  }
0xa7: {  	v21 =	vld [tilespmem:s8+$0x380]  }
0xa8: {  	s10 =	sadd.s32 $0x2, s10;
	v22 =	vld [tilespmem:s8+$0x300]  }
0xa9: {  	p0 =	slt.u32 s10, $0xFE;
	v23 =	vld [tilespmem:s8+$0x180]  }
0xaa: {  	v24 =	vld [tilespmem:s8+$0x100]  }
0xab: {  	v14 =	vmul.f32 v14, v6;
	v25 =	vld [tilespmem:s8+$0x80]  }
0xac: {  	v12 =	vmul.f32 v12, v7;
	v13 =	vmul.f32 v13, v8;
	v26 =	vld [tilespmem:s8+$0x0]  }
0xad: {  	v15 =	vmul.f32 v15, v9;
	v16 =	vmul.f32 v16, v2;
	v27 =	vld [tilespmem:s8+$0x280]  }
0xae: {  	s9 =	sadd.s32 $0x20, s9;
	v17 =	vmul.f32 v17, v3;
	v18 =	vmul.f32 v18, v4;
	v28 =	vld [tilespmem:s8+$0x200];
	s8 =	sand.u32 $0xF80, s12  }
0xaf: {  	v12 =	vadd.f32 v12, v14;
	v19 =	vmul.f32 v19, v5;
	v21 =	vmul.f32 v21, v9;
	v29 =	vld [tilespmem:s9+$0x0];
	s8 =	sor.u32 s8, s15  }
0xb0: {  	v15 =	vadd.f32 v15, v13;
	v23 =	vmul.f32 v23, v5;
	v14 =	vmul.f32 v24, v4;
	v13 =	vld [tilespmem:s8+$0x11100]  }
0xb1: {  	v16 =	vadd.f32 v17, v16;
	v25 =	vmul.f32 v25, v3;
	v24 =	vmul.f32 v26, v2;
	v17 =	vld [tilespmem:s8+$0x10100]  }
0xb2: {  	v18 =	vadd.f32 v19, v18;
	v22 =	vmul.f32 v22, v8;
	v26 =	vmul.f32 v27, v7  }
0xb3: {  	v14 =	vadd.f32 v23, v14;
	v19 =	vmul.f32 v28, v6;
	v24 =	vadd.f32 v25, v24  }
0xb4: {  	v21 =	vadd.f32 v21, v22;
	v20 =	vadd.f32 v20, v29  }
.Ltmp0:
0xb5: {  	v19 =	vadd.f32 v26, v19;
	v14 =	vadd.f32 v14, v24;
	(pc) =	sbr.rel @p0 .LBB2_2-.Ltmp0, $4  }
0xb6: {  	v16 =	vadd.f32 v18, v16;
	v13 =	vadd.f32 v13, v17  }
0xb7: {  	v17 =	vadd.f32 v20, v14;
	v18 =	vadd.f32 v21, v19  }
0xb8: {  	v14 =	vadd.f32 v15, v12;
	v13 =	vadd.f32 v13, v16  }
0xb9: {  	s11 =	sadd.s32 $0x100, s11;
	s12 =	sadd.s32 $0x20, s12;
	v12 =	vadd.f32 v17, v18  }
0xba: {  	v2 =	vadd.f32 v13, v14;
	_ =	sdelay $0x1  }
0xbb: {  	v3 =	vmul.f32 v12, v12;
	v4 =	vmul.f32 v2, v2;
	_ =	sdelay $0x1  }
0xbc: {  	v3 =	vadd.f32 v3, v10;
	v4 =	vadd.f32 v4, v11;
	_ =	sdelay $0x1  }
0xbd: {  	v3 =	vadd.f32 v4, v3;
	_ =	sdelay $0x1  }
0xbe: {  	(v2sf) =	vpush v3, $0x0  }
0xbf: {  	(v2sf) =	vpush v3, $0x1;
	_ =	sdelay $0x1  }
0xc0: {  	(v2sf) =	vpush v3, $0x2;
	_ =	sdelay $0x1  }
0xc1: {  	(v2sf) =	vpush v3, $0x3;
	_ =	sdelay $0x1  }
0xc2: {  	(v2sf) =	vpush v3, $0x4;
	_ =	sdelay $0x1  }
0xc3: {  	(v2sf) =	vpush v3, $0x5;
	_ =	sdelay $0x1  }
0xc4: {  	(v2sf) =	vpush v3, $0x6;
	_ =	sdelay $0x1  }
0xc5: {  	(v2sf) =	vpush v3, $0x7;
	_ =	sdelay $0x1  }
0xc6: {  	s7 =	spop (v2sf);
	(v2sf) =	vpush v3, $0x8  }
0xc7: {  	s9 =	spop (v2sf)  }
0xc8: {  	(v2sf) =	vpush v3, $0x9;
	s7 =	sadd.f32 s9, s7  }
0xc9: {  	s15 =	spop (v2sf)  }
0xca: {  	(v2sf) =	vpush v3, $0xA;
	s7 =	sadd.f32 s7, s15  }
0xcb: {  	s16 =	spop (v2sf)  }
0xcc: {  	(v2sf) =	vpush v3, $0xB;
	s7 =	sadd.f32 s7, s16  }
0xcd: {  	s10 =	spop (v2sf)  }
0xce: {  	(v2sf) =	vpush v3, $0xC;
	s7 =	sadd.f32 s7, s10  }
0xcf: {  	s11 =	spop (v2sf)  }
0xd0: {  	(v2sf) =	vpush v3, $0xD;
	s7 =	sadd.f32 s7, s11  }
0xd1: {  	s12 =	spop (v2sf)  }
0xd2: {  	(v2sf) =	vpush v3, $0xE;
	s7 =	sadd.f32 s7, s12  }
0xd3: {  	s13 =	spop (v2sf)  }
0xd4: {  	(v2sf) =	vpush v3, $0xF;
	s7 =	sadd.f32 s7, s13  }
0xd5: {  	s14 =	spop (v2sf)  }
0xd6: {  	s7 =	sadd.f32 s7, s14  }
0xd7: {  	s15 =	spop (v2sf)  }
0xd8: {  	s7 =	sadd.f32 s7, s15  }
0xd9: {  	s16 =	spop (v2sf)  }
0xda: {  	s7 =	sadd.f32 s7, s16  }
0xdb: {  	s10 =	spop (v2sf)  }
0xdc: {  	s7 =	sadd.f32 s7, s10  }
0xdd: {  	s11 =	spop (v2sf)  }
0xde: {  	s7 =	sadd.f32 s7, s11  }
0xdf: {  	s12 =	spop (v2sf)  }
0xe0: {  	s7 =	sadd.f32 s7, s12  }
0xe1: {  	s13 =	spop (v2sf)  }
0xe2: {  	s7 =	sadd.f32 s7, s13  }
0xe3: {  	s14 =	spop (v2sf)  }
0xe4: {  	s7 =	sadd.f32 s7, s14;
	_ =	sdelay $0x1  }
0xe5: {  	s7 =	smul.f32 $2.441406250e-04, s7;
	_ =	sdelay $0x1  }
0xe6: {  	s7 =	sadd.f32 $9.999999970e-07, s7;
	_ =	sdelay $0x1  }
0xe7: {  	v3 =	vmov s7  }
0xe8: {  	v4 =	vshra.s32 v3, $0x1;
	v3 =	vmul.f32 $5.000000000e-01, v3  }
0xe9: {  	v4 =	vsub.s32 $0x5F3759DF, v4  }
0xea: {  	v5 =	vmul.f32 v4, v3;
	_ =	sdelay $0x1  }
0xeb: {  	v5 =	vmul.f32 v4, v5;
	_ =	sdelay $0x1  }
0xec: {  	v5 =	vsub.f32 $1.500000000e+00, v5;
	_ =	sdelay $0x1  }
0xed: {  	v4 =	vmul.f32 v4, v5;
	_ =	sdelay $0x1  }
0xee: {  	v5 =	vmul.f32 v4, v3;
	_ =	sdelay $0x1  }
0xef: {  	v5 =	vmul.f32 v5, v4;
	_ =	sdelay $0x1  }
0xf0: {  	v5 =	vsub.f32 $1.500000000e+00, v5;
	_ =	sdelay $0x1  }
0xf1: {  	s6 =	sadd.s32 $0x20, s6;
	v4 =	vmul.f32 v5, v4  }
0xf2: {  	[tilespmem:s6+$0x0] =	vst v12  }
0xf3: {  	[tilespmem:s8+$0x13100] =	vst v2;
	v2 =	vmul.f32 v4, v3  }
0xf4: {  	[hbm4b:s23+s28] =	stream.strided.scatter [tilespmem:s30], [sflag:$0x3], $0x1000, s31, s28, $0x38;
	[tilespmem:$0x17100] =	vst v63  }
0xf5: {  	s15 =	simm.s32 $0x13110;
	v2 =	vmul.f32 v2, v4  }
0xf6: {  	v3 =	vld [tilespmem:s15+$0xFFFFFFF0]  }
0xf7: {  	s16 =	simm.s32 $0x12110;
	v2 =	vsub.f32 $1.500000000e+00, v2  }
0xf8: {  	v5 =	vld [tilespmem:s16+$0xFFFFFFF0]  }
0xf9: {  	v2 =	vmul.f32 v2, v4;
	_ =	sdelay $0x1  }
0xfa: {  	s11 =	simm.s32 $0x13130;
	v3 =	vmul.f32 v3, v2  }
0xfb: {  	v4 =	vld [tilespmem:s11+$0xFFFFFFF0]  }
0xfc: {  	s12 =	simm.s32 $0x12130;
	v3 =	vmul.f32 v5, v3  }
0xfd: {  	s6 =	simm.s32 $0x15110;
	s8 =	simm.s32 $0x13150;
	v5 =	vld [tilespmem:s12+$0xFFFFFFF0]  }
0xfe: {  	v7 =	vld [tilespmem:s8+$0xFFFFFFF0];
	[tilespmem:s6+$0xFFFFFFF0] =	vst v3  }
0xff: {  	v3 =	vld [tilespmem:s15+$0x0]  }
0x100: {  	v4 =	vmul.f32 v4, v2  }
0x101: {  	v6 =	vld [tilespmem:s16+$0x0]  }
0x102: {  	s10 =	simm.s32 $0x12150;
	v4 =	vmul.f32 v5, v4  }
0x103: {  	s9 =	simm.s32 $0x13170;
	s7 =	simm.s32 $0x15130;
	v5 =	vld [tilespmem:s10+$0xFFFFFFF0]  }
0x104: {  	v8 =	vmul.f32 v7, v2;
	v7 =	vld [tilespmem:s9+$0xFFFFFFF0];
	[tilespmem:s7+$0xFFFFFFF0] =	vst v4;
	v9 =	vmul.f32 v3, v2  }
0x105: {  	v4 =	vld [tilespmem:s11+$0x0]  }
0x106: {  	v3 =	vld [tilespmem:s12+$0x0];
	s12 =	simm.s32 $0x6;
	s11 =	simm.s32 $0x12150;
	v6 =	vmul.f32 v6, v9  }
.LBB2_4:
0x107: {  	s12 =	sadd.s32 $0x2, s12  }
0x108: {  	v8 =	vmul.f32 v5, v8;
	s10 =	sadd.s32 $0x20, s10;
	[tilespmem:s6+$0x0] =	vst v6;
	s6 =	smov.u32 s7;
	p0 =	slt.u32 s12, $0xFE  }
.Ltmp1:
0x109: {  	s7 =	sadd.s32 $0x20, s7;
	v5 =	vld [tilespmem:s10+$0xFFFFFFF0];
	(pc) =	sbr.rel @p0 .LBB2_4-.Ltmp1, $4  }
0x10a: {  	[tilespmem:s7+$0xFFFFFFF0] =	vst v8;
	v6 =	vmul.f32 v4, v2  }
0x10b: {  	v4 =	vld [tilespmem:s8+$0x0];
	s8 =	smov.u32 s9  }
0x10c: {  	s9 =	sadd.s32 $0x20, s9;
	v8 =	vmul.f32 v7, v2;
	v6 =	vmul.f32 v3, v6;
	v3 =	vld [tilespmem:s11+$0x0];
	s11 =	smov.u32 s10  }
0x10d: {  	v7 =	vld [tilespmem:s9+$0xFFFFFFF0]  }
0x10e: {  	s10 =	sadd.s32 $0x20, s10  }
0x10f: {  	v9 =	vld [tilespmem:s10+$0xFFFFFFF0];
	_ =	sdelay $0x2  }
0x110: {  	v7 =	vmul.f32 v7, v2  }
0x111: {  	v5 =	vmul.f32 v5, v8  }
0x112: {  	s12 =	sadd.s32 $0x20, s7;
	v7 =	vmul.f32 v9, v7  }
0x113: {  	s13 =	sadd.s32 $0x20, s12;
	[tilespmem:s12+$0xFFFFFFF0] =	vst v5  }
0x114: {  	v5 =	vld [tilespmem:s8+$0x0];
	[tilespmem:s13+$0xFFFFFFF0] =	vst v7  }
0x115: {  	v7 =	vld [tilespmem:s9+$0x0]  }
0x116: {  	v61 =	vld [tilespmem:s11+$0x0]  }
0x117: {  	v62 =	vld [tilespmem:s10+$0x0]  }
0x118: {  	v4 =	vmul.f32 v4, v2  }
0x119: {  	v5 =	vmul.f32 v5, v2  }
0x11a: {  	v3 =	vmul.f32 v3, v4;
	v2 =	vmul.f32 v7, v2  }
0x11b: {  	[tilespmem:s6+$0x0] =	vst v6;
	v63 =	vmul.f32 v61, v5  }
0x11c: {  	[tilespmem:s7+$0x0] =	vst v3;
	v2 =	vmul.f32 v62, v2  }
0x11d: {  	[tilespmem:s12+$0x0] =	vst v63  }
0x11e: {  	s16 =	simm.s32 $0x15100;
	s5 =	sadd.s32 $0x1, s5;
	[tilespmem:s13+$0x0] =	vst v2  }
0x11f: {  	[hbm4b:s24+s28] =	stream.strided.scatter [tilespmem:s16], [sflag:$0x4], $0x1000, s31, s28, $0x38;
	[tilespmem:$0x17100] =	vst v63  }
0x120: {  	p0 =	sne.s32 s5, s25;
	_ =	swait.ge [sflag:s2], $0x1000  }
.Ltmp2:
0x121: {  	[sflag:s2] =	ssyncset.done $0x0;
	(pc) =	sbr.rel @p0 .LBB2_1-.Ltmp2, $4  }
0x122: {  	[sflag:s2] =	ssyncadd.s32 $0xFFFFF000  }
0x123: {  	_ =	swait.ge [sflag:s1], $0x1000  }
0x124: {  	[sflag:s1] =	ssyncset.done $0x0  }
0x125: {  	[sflag:s1] =	ssyncadd.s32 $0xFFFFF000  }
0x126: {  	_ =	sfence.sel $0x180000  }
0x127: {  	[bflag:$0x0] =	sbarrier.arrive $0xFFFF  }
0x128: {  	_ =	strace $0x90000047  }
0x129: {  	s0 =	stileid.u32;
	[bflag:$0x2] =	sbarrier.arrive $0xFFFF  }
0x12a: {  	p0 =	sne.s32 s0, $0x0;
	s0 =	rddreg [dreg:$0x5]  }
0x12b: {  	s0 =	sadd.s32 @!p0 $0x100000, s0  }
0x12c: {  	[sflag:s0] =	ssyncadd.tile.s32 @!p0 $0x1;
	_ =	shalt  }
.Lfunc_end2:
_tile_overlayer_lowered:
.L_overlay_start_2:
0x12d: {  	(tag) =	ssettag $0x2  }
0x12e: {  	s0 =	rddreg [dreg:$0x0];
	s2 =	stileid.u32  }
0x12f: {  	s1 =	rddreg [dreg:$0x1];
	p0 =	sne.s32 s2, $0x0  }
0x130: {  	s3 =	rddreg [dreg:$0x2];
	[bflag:$0x3] =	sbarrier.arrive $0xFFFF;
	s2 =	simm.s32 @!p0 $0x1C05  }
0x131: {  	[timem:s3], [sflag:s2] =	dma.local @!p0 [hbm:s0], s1  }
0x132: {  	s0 =	simm.s32 @!p0 $0x5  }
0x133: {  	_ =	swait.ge @!p0 [sflag:s0], s1  }
0x134: {  	s1 =	ssub.s32 @!p0 $0x0, s1;
	[sflag:s0] =	ssyncset.done @!p0 $0x0  }
0x135: {  	[sflag:s0] =	ssyncadd.s32 @!p0 s1  }
0x136: {  	[bflag:$0x3] =	sbarrier.arrive $0xFFFF  }
0x137: {  	_ =	shalt  }

</sc_bundles>
